<compile_context>
chip_gen: v7x
topology: tpu7x:2x2x1
jax: 0.10.2.dev20260603
libtpu: 0.0.44.dev20260713+nightly
codegen_flags: <defaults>
</compile_context>

<pallas_src>
import functools

import jax
import jax.numpy as jnp
from jax import lax
from jax.experimental import pallas as pl
from jax.experimental.pallas import tpu as pltpu
from jax.experimental.pallas import tpu_sc as plsc

NUM_FRAMES = 16
T = 512
C, H, W = 3, 224, 224
R = C * H * W
NC, NS = 2, 16
NW = NC * NS
PAIRS_PW = (C * H) // NW
NSPLIT = 4
CHUNKS_PW = PAIRS_PW * NSPLIT
PR = (W // 8) * (T // 128) * 8
CPR = PR // NSPLIT
OW = W // NSPLIT
NBUF = 4


def _sc_gather(flat, idx32):
    mesh = plsc.VectorSubcoreMesh(core_axis_name="c", subcore_axis_name="s")

    @functools.partial(
        pl.kernel,
        out_type=jax.ShapeDtypeStruct((R * NUM_FRAMES,), jnp.float32),
        mesh=mesh,
        scratch_types=[
            pltpu.VMEM((32,), jnp.int32),
        ] + [pltpu.VMEM((CPR, 128), jnp.float32)] * NBUF
          + [pltpu.VMEM((OW * NUM_FRAMES,), jnp.float32)] * 2
          + [pltpu.SemaphoreType.DMA] * (NBUF + 2),
        compiler_params=pltpu.CompilerParams(needs_layout_passes=False),
    )
    def k(flat_hbm, idx_hbm, out_hbm, idx_v, b0, b1, b2, b3, oA, oB,
          gi0, gi1, gi2, gi3, goA, goB):
        wid = lax.axis_index("s") * NC + lax.axis_index("c")
        bufs, obufs = (b0, b1, b2, b3), (oA, oB)
        isems, osems = (gi0, gi1, gi2, gi3), (goA, goB)
        pltpu.sync_copy(idx_hbm, idx_v)
        ft8 = idx_v[pl.ds(0, 16)]
        fl = idx_v[pl.ds(16, 16)]
        row_base = wid * PAIRS_PW * PR
        out_base = wid * PAIRS_PW * W * NUM_FRAMES

        def in_copy(ch, p):
            return pltpu.make_async_copy(
                flat_hbm.at[pl.ds(row_base + ch * CPR, CPR)],
                bufs[p], isems[p])

        def out_copy(ch, p):
            return pltpu.make_async_copy(
                obufs[p],
                out_hbm.at[pl.ds(out_base + ch * OW * NUM_FRAMES,
                                 OW * NUM_FRAMES)],
                osems[p])

        for ch in range(NBUF - 1):
            in_copy(ch, ch).start()

        def group(g, _):
            for b in range(NBUF):
                ch = g * NBUF + b
                nxt = ch + NBUF - 1

                @pl.when(nxt < CHUNKS_PW)
                def _():
                    in_copy(nxt, (b + NBUF - 1) % NBUF).start()

                in_copy(ch, b).wait()

                @pl.when(ch >= 2)
                def _():
                    out_copy(ch - 2, b & 1).wait()

                def body(wt, _, b=b, ch=ch):
                    rbase = wt * 32
                    for ws in range(8):
                        rows = ft8 + (rbase + ws)
                        vals = plsc.load_gather(bufs[b], [rows, fl])
                        obufs[b & 1][pl.ds((wt * 8 + ws) * NUM_FRAMES, 16)] \
                            = vals
                    return 0

                lax.fori_loop(0, OW // 8, body, 0)
                out_copy(ch, b & 1).start()
            return 0

        lax.fori_loop(0, CHUNKS_PW // NBUF, group, 0)
        for ch in (CHUNKS_PW - 2, CHUNKS_PW - 1):
            out_copy(ch, ch & 1).wait()

    return k(flat, idx32)


def kernel(vid):
    tix = jax.random.randint(jax.random.key(42), (NUM_FRAMES,), 0, vid.shape[0])
    tix = tix.astype(jnp.int32)
    idx32 = jnp.concatenate([(tix >> 7) * 8, tix & 127])
    flat = (jnp.transpose(vid, (1, 2, 3, 0))
            .reshape(C, H, W // 8, 8, T // 128, 128)
            .transpose(0, 1, 2, 4, 3, 5)
            .reshape(R * (T // 128), 128))
    out = _sc_gather(flat, idx32)
    return jnp.transpose(out.reshape(C, H, W, NUM_FRAMES), (3, 0, 1, 2))

# --- scband reference (transcript-rebuilt; emitter-appended) ---
"""Pipeline reference for scband-downsample-time-36180804501877 (READ-ONLY COPY).

The authoritative reference and input builder live on the scoring server;
editing this copy changes nothing except your own understanding.
"""

import jax, jax.numpy as jnp
import numpy as np

NUM_FRAMES = 16

def setup_inputs(seed: int = 0) -> dict:
    key = jax.random.key(seed)
    vid = jax.random.normal(key, (512, 3, 224, 224), dtype=jnp.float32)
    return {"vid": vid}

def reference(vid):
    # method == 'random': sample num_frames random temporal indices and gather
    tix = jax.random.randint(jax.random.key(42), (NUM_FRAMES,), 0, vid.shape[0])
    return jnp.take(vid, tix, axis=0)

if __name__ == "__main__":
    import jax
    _d = setup_inputs()
    print(jax.jit(kernel)(*tuple(_d.values())))

</pallas_src>

<mosaic_0001>
#map = affine_map<(d0, d1) -> (0, 0)>
#map1 = affine_map<(d0, d1) -> (0)>
module attributes {stable_mosaic.version = 14 : i64} {
  func.func @k(%arg0: i32, %arg1: i32, %arg2: memref<602112x128xf32, #tpu.memory_space<hbm>>, %arg3: memref<32xi32, #tpu.memory_space<hbm>>, %arg4: memref<2408448xf32, #tpu.memory_space<hbm>>, %arg5: memref<32xi32, #tpu.memory_space<vmem>>, %arg6: memref<224x128xf32, #tpu.memory_space<vmem>>, %arg7: memref<224x128xf32, #tpu.memory_space<vmem>>, %arg8: memref<224x128xf32, #tpu.memory_space<vmem>>, %arg9: memref<224x128xf32, #tpu.memory_space<vmem>>, %arg10: memref<896xf32, #tpu.memory_space<vmem>>, %arg11: memref<896xf32, #tpu.memory_space<vmem>>, %arg12: memref<!tpu.dma_semaphore, #tpu.memory_space<semaphore_mem>>, %arg13: memref<!tpu.dma_semaphore, #tpu.memory_space<semaphore_mem>>, %arg14: memref<!tpu.dma_semaphore, #tpu.memory_space<semaphore_mem>>, %arg15: memref<!tpu.dma_semaphore, #tpu.memory_space<semaphore_mem>>, %arg16: memref<!tpu.dma_semaphore, #tpu.memory_space<semaphore_mem>>, %arg17: memref<!tpu.dma_semaphore, #tpu.memory_space<semaphore_mem>>) attributes {dimension_semantics = [#tpu.dimension_semantics<core_parallel>, #tpu.dimension_semantics<subcore_parallel>], iteration_bounds = array<i64: 2, 16>, scalar_prefetch = 0 : i64, scratch_operands = 13 : i64, tpu.core_type = #tpu.core_type<sc_vector_subcore>, window_params = [{transform_indices = #map}, {transform_indices = #map1}, {transform_indices = #map1}]} {
    %mul3A = arith.constant 2 : i32
    %mul3A_0 = arith.muli %arg1, %mul3A : i32
    %add3A = arith.addi %mul3A_0, %arg0 : i32
    "tpu.region"() ({
      %run_scoped3A = tpu.sem_alloc : memref<!tpu.dma_semaphore, #tpu.memory_space<semaphore_mem>>
      tpu.enqueue_dma source(%arg3 : memref<32xi32, #tpu.memory_space<hbm>>) target(%arg5 : memref<32xi32, #tpu.memory_space<vmem>>) target_semaphore(%run_scoped3A : memref<!tpu.dma_semaphore, #tpu.memory_space<semaphore_mem>>)
      tpu.wait_dma2 semaphore(%run_scoped3A : memref<!tpu.dma_semaphore, #tpu.memory_space<semaphore_mem>>) src(%arg3 : memref<32xi32, #tpu.memory_space<hbm>>) dst(%arg5 : memref<32xi32, #tpu.memory_space<vmem>>)
      tpu.yield
    }) : () -> ()
    %get3A = arith.constant 0 : index
    %get3A_1 = tpu.vector_load %arg5[%get3A] {strides = array<i32>} : memref<32xi32, #tpu.memory_space<vmem>>, vector<16xi32>,
    %get3A_2 = arith.constant 16 : index
    %get3A_3 = tpu.vector_load %arg5[%get3A_2] {strides = array<i32>} : memref<32xi32, #tpu.memory_space<vmem>>, vector<16xi32>,
    %mul3A_4 = arith.constant 21 : i32
    %mul3A_5 = arith.muli %add3A, %mul3A_4 : i32
    %mul3A_6 = arith.constant 896 : i32
    %mul3A_7 = arith.muli %mul3A_5, %mul3A_6 : i32
    %mul3A_8 = arith.constant 21 : i32
    %mul3A_9 = arith.muli %add3A, %mul3A_8 : i32
    %mul3A_10 = arith.constant 224 : i32
    %mul3A_11 = arith.muli %mul3A_9, %mul3A_10 : i32
    %mul3A_12 = arith.constant 16 : i32
    %mul3A_13 = arith.muli %mul3A_11, %mul3A_12 : i32
    %add3A_14 = arith.constant 0 : i32
    %add3A_15 = arith.addi %mul3A_7, %add3A_14 : i32
    %dma_start3A = arith.constant 0 : i32
    %dma_start3A_16 = tpu.memref_slice %arg2[%add3A_15, %dma_start3A] : memref<602112x128xf32, #tpu.memory_space<hbm>> -> memref<224x128xf32, #tpu.memory_space<hbm>>
    %dma_start3A_17 = arith.constant 0 : i32
    %dma_start3A_18 = tpu.memref_slice %arg2[%add3A_15, %dma_start3A_17] : memref<602112x128xf32, #tpu.memory_space<hbm>> -> memref<224x128xf32, #tpu.memory_space<hbm>>
    tpu.enqueue_dma source(%dma_start3A_18 : memref<224x128xf32, #tpu.memory_space<hbm>>) target(%arg6 : memref<224x128xf32, #tpu.memory_space<vmem>>) target_semaphore(%arg12 : memref<!tpu.dma_semaphore, #tpu.memory_space<semaphore_mem>>)
    %add3A_19 = arith.constant 224 : i32
    %add3A_20 = arith.addi %mul3A_7, %add3A_19 : i32
    %dma_start3A_21 = arith.constant 0 : i32
    %dma_start3A_22 = tpu.memref_slice %arg2[%add3A_20, %dma_start3A_21] : memref<602112x128xf32, #tpu.memory_space<hbm>> -> memref<224x128xf32, #tpu.memory_space<hbm>>
    %dma_start3A_23 = arith.constant 0 : i32
    %dma_start3A_24 = tpu.memref_slice %arg2[%add3A_20, %dma_start3A_23] : memref<602112x128xf32, #tpu.memory_space<hbm>> -> memref<224x128xf32, #tpu.memory_space<hbm>>
    tpu.enqueue_dma source(%dma_start3A_24 : memref<224x128xf32, #tpu.memory_space<hbm>>) target(%arg7 : memref<224x128xf32, #tpu.memory_space<vmem>>) target_semaphore(%arg13 : memref<!tpu.dma_semaphore, #tpu.memory_space<semaphore_mem>>)
    %add3A_25 = arith.constant 448 : i32
    %add3A_26 = arith.addi %mul3A_7, %add3A_25 : i32
    %dma_start3A_27 = arith.constant 0 : i32
    %dma_start3A_28 = tpu.memref_slice %arg2[%add3A_26, %dma_start3A_27] : memref<602112x128xf32, #tpu.memory_space<hbm>> -> memref<224x128xf32, #tpu.memory_space<hbm>>
    %dma_start3A_29 = arith.constant 0 : i32
    %dma_start3A_30 = tpu.memref_slice %arg2[%add3A_26, %dma_start3A_29] : memref<602112x128xf32, #tpu.memory_space<hbm>> -> memref<224x128xf32, #tpu.memory_space<hbm>>
    tpu.enqueue_dma source(%dma_start3A_30 : memref<224x128xf32, #tpu.memory_space<hbm>>) target(%arg8 : memref<224x128xf32, #tpu.memory_space<vmem>>) target_semaphore(%arg14 : memref<!tpu.dma_semaphore, #tpu.memory_space<semaphore_mem>>)
    %scan3A = arith.constant 0 : i32
    %scan3A_31 = arith.constant 0 : i32
    %scan3A_32 = arith.constant 21 : i32
    %scan3A_33 = arith.addi %scan3A_31, %scan3A_32 : i32
    %scan3A_34 = arith.constant 1 : i32
    %scan3A_35 = scf.for %scan3A_44 = %scan3A_31 to %scan3A_33 step %scan3A_34 iter_args(%scan3A_45 = %scan3A) -> (i32)  : i32 {
      %mul3A_46 = arith.constant 4 : i32
      %mul3A_47 = arith.muli %scan3A_44, %mul3A_46 : i32
      %add3A_48 = arith.constant 0 : i32
      %add3A_49 = arith.addi %mul3A_47, %add3A_48 : i32
      %add3A_50 = arith.constant 4 : i32
      %add3A_51 = arith.addi %add3A_49, %add3A_50 : i32
      %sub3A = arith.constant 1 : i32
      %sub3A_52 = arith.subi %add3A_51, %sub3A : i32
      %lt3A = arith.constant 84 : i32
      %lt3A_53 = arith.cmpi slt, %sub3A_52, %lt3A : i32
      %convert_element_type3A = arith.extui %lt3A_53 : i1 to i32
      %cond3A = arith.constant 0 : i32
      %cond3A_54 = arith.cmpi ne, %convert_element_type3A, %cond3A : i32
      scf.if %cond3A_54 {
        %mul3A_198 = arith.constant 224 : i32
        %mul3A_199 = arith.muli %sub3A_52, %mul3A_198 : i32
        %add3A_200 = arith.addi %mul3A_7, %mul3A_199 : i32
        %dma_start3A_201 = arith.constant 0 : i32
        %dma_start3A_202 = tpu.memref_slice %arg2[%add3A_200, %dma_start3A_201] : memref<602112x128xf32, #tpu.memory_space<hbm>> -> memref<224x128xf32, #tpu.memory_space<hbm>>
        %dma_start3A_203 = arith.constant 0 : i32
        %dma_start3A_204 = tpu.memref_slice %arg2[%add3A_200, %dma_start3A_203] : memref<602112x128xf32, #tpu.memory_space<hbm>> -> memref<224x128xf32, #tpu.memory_space<hbm>>
        tpu.enqueue_dma source(%dma_start3A_204 : memref<224x128xf32, #tpu.memory_space<hbm>>) target(%arg9 : memref<224x128xf32, #tpu.memory_space<vmem>>) target_semaphore(%arg15 : memref<!tpu.dma_semaphore, #tpu.memory_space<semaphore_mem>>)
      } else {
      }
      %mul3A_55 = arith.constant 224 : i32
      %mul3A_56 = arith.muli %add3A_49, %mul3A_55 : i32
      %add3A_57 = arith.addi %mul3A_7, %mul3A_56 : i32
      %dma_wait3A_58 = arith.constant 0 : i32
      %dma_wait3A_59 = tpu.memref_slice %arg2[%add3A_57, %dma_wait3A_58] : memref<602112x128xf32, #tpu.memory_space<hbm>> -> memref<224x128xf32, #tpu.memory_space<hbm>>
      %dma_wait3A_60 = arith.constant 0 : i32
      %dma_wait3A_61 = tpu.memref_slice %arg2[%add3A_57, %dma_wait3A_60] : memref<602112x128xf32, #tpu.memory_space<hbm>> -> memref<224x128xf32, #tpu.memory_space<hbm>>
      tpu.wait_dma2 semaphore(%arg12 : memref<!tpu.dma_semaphore, #tpu.memory_space<semaphore_mem>>) src(%dma_wait3A_61 : memref<224x128xf32, #tpu.memory_space<hbm>>) dst(%arg6 : memref<224x128xf32, #tpu.memory_space<vmem>>)
      %ge3A = arith.constant 2 : i32
      %ge3A_62 = arith.cmpi sge, %add3A_49, %ge3A : i32
      %convert_element_type3A_63 = arith.extui %ge3A_62 : i1 to i32
      %cond3A_64 = arith.constant 0 : i32
      %cond3A_65 = arith.cmpi ne, %convert_element_type3A_63, %cond3A_64 : i32
      scf.if %cond3A_65 {
        %sub3A_198 = arith.constant 2 : i32
        %sub3A_199 = arith.subi %add3A_49, %sub3A_198 : i32
        %mul3A_200 = arith.constant 56 : i32
        %mul3A_201 = arith.muli %sub3A_199, %mul3A_200 : i32
        %mul3A_202 = arith.constant 16 : i32
        %mul3A_203 = arith.muli %mul3A_201, %mul3A_202 : i32
        %add3A_204 = arith.addi %mul3A_13, %mul3A_203 : i32
        %dma_wait3A_205 = tpu.memref_slice %arg4[%add3A_204] : memref<2408448xf32, #tpu.memory_space<hbm>> -> memref<896xf32, #tpu.memory_space<hbm>>
        %dma_wait3A_206 = tpu.memref_slice %arg4[%add3A_204] : memref<2408448xf32, #tpu.memory_space<hbm>> -> memref<896xf32, #tpu.memory_space<hbm>>
        tpu.wait_dma2 semaphore(%arg16 : memref<!tpu.dma_semaphore, #tpu.memory_space<semaphore_mem>>) src(%arg10 : memref<896xf32, #tpu.memory_space<vmem>>) dst(%dma_wait3A_206 : memref<896xf32, #tpu.memory_space<hbm>>)
      } else {
      }
      %scan3A_66 = arith.constant 0 : i32
      %scan3A_67 = arith.constant 0 : i32
      %scan3A_68 = arith.constant 7 : i32
      %scan3A_69 = arith.addi %scan3A_67, %scan3A_68 : i32
      %scan3A_70 = arith.constant 1 : i32
      %scan3A_71 = scf.for %scan3A_198 = %scan3A_67 to %scan3A_69 step %scan3A_70 iter_args(%scan3A_199 = %scan3A_66) -> (i32)  : i32 {
        %mul3A_200 = arith.constant 32 : i32
        %mul3A_201 = arith.muli %scan3A_198, %mul3A_200 : i32
        %add3A_202 = arith.constant 0 : i32
        %add3A_203 = arith.addi %mul3A_201, %add3A_202 : i32
        %add3A_204 = vector.broadcast %add3A_203 : i32 to vector<16xi32>
        %add3A_205 = arith.addi %get3A_1, %add3A_204 : vector<16xi32>
        %gather3A = tpu.vector_load_idx %arg6[%add3A_205, %get3A_3] : memref<224x128xf32, #tpu.memory_space<vmem>>[vector<16xi32>, vector<16xi32>], vector<16xf32>,
        %mul3A_206 = arith.constant 8 : i32
        %mul3A_207 = arith.muli %scan3A_198, %mul3A_206 : i32
        %add3A_208 = arith.constant 0 : i32
        %add3A_209 = arith.addi %mul3A_207, %add3A_208 : i32
        %mul3A_210 = arith.constant 16 : i32
        %mul3A_211 = arith.muli %add3A_209, %mul3A_210 : i32
        %swap3A = arith.index_cast %mul3A_211 : i32 to index
        %swap3A_212 = tpu.vector_load %arg10[%swap3A] {strides = array<i32>} : memref<896xf32, #tpu.memory_space<vmem>>, vector<16xf32>,
        tpu.vector_store %arg10[%swap3A], %gather3A {strides = array<i32>} : memref<896xf32, #tpu.memory_space<vmem>>, vector<16xf32>,
        %add3A_213 = arith.constant 1 : i32
        %add3A_214 = arith.addi %mul3A_201, %add3A_213 : i32
        %add3A_215 = vector.broadcast %add3A_214 : i32 to vector<16xi32>
        %add3A_216 = arith.addi %get3A_1, %add3A_215 : vector<16xi32>
        %gather3A_217 = tpu.vector_load_idx %arg6[%add3A_216, %get3A_3] : memref<224x128xf32, #tpu.memory_space<vmem>>[vector<16xi32>, vector<16xi32>], vector<16xf32>,
        %mul3A_218 = arith.constant 8 : i32
        %mul3A_219 = arith.muli %scan3A_198, %mul3A_218 : i32
        %add3A_220 = arith.constant 1 : i32
        %add3A_221 = arith.addi %mul3A_219, %add3A_220 : i32
        %mul3A_222 = arith.constant 16 : i32
        %mul3A_223 = arith.muli %add3A_221, %mul3A_222 : i32
        %swap3A_224 = arith.index_cast %mul3A_223 : i32 to index
        %swap3A_225 = tpu.vector_load %arg10[%swap3A_224] {strides = array<i32>} : memref<896xf32, #tpu.memory_space<vmem>>, vector<16xf32>,
        tpu.vector_store %arg10[%swap3A_224], %gather3A_217 {strides = array<i32>} : memref<896xf32, #tpu.memory_space<vmem>>, vector<16xf32>,
        %add3A_226 = arith.constant 2 : i32
        %add3A_227 = arith.addi %mul3A_201, %add3A_226 : i32
        %add3A_228 = vector.broadcast %add3A_227 : i32 to vector<16xi32>
        %add3A_229 = arith.addi %get3A_1, %add3A_228 : vector<16xi32>
        %gather3A_230 = tpu.vector_load_idx %arg6[%add3A_229, %get3A_3] : memref<224x128xf32, #tpu.memory_space<vmem>>[vector<16xi32>, vector<16xi32>], vector<16xf32>,
        %mul3A_231 = arith.constant 8 : i32
        %mul3A_232 = arith.muli %scan3A_198, %mul3A_231 : i32
        %add3A_233 = arith.constant 2 : i32
        %add3A_234 = arith.addi %mul3A_232, %add3A_233 : i32
        %mul3A_235 = arith.constant 16 : i32
        %mul3A_236 = arith.muli %add3A_234, %mul3A_235 : i32
        %swap3A_237 = arith.index_cast %mul3A_236 : i32 to index
        %swap3A_238 = tpu.vector_load %arg10[%swap3A_237] {strides = array<i32>} : memref<896xf32, #tpu.memory_space<vmem>>, vector<16xf32>,
        tpu.vector_store %arg10[%swap3A_237], %gather3A_230 {strides = array<i32>} : memref<896xf32, #tpu.memory_space<vmem>>, vector<16xf32>,
        %add3A_239 = arith.constant 3 : i32
        %add3A_240 = arith.addi %mul3A_201, %add3A_239 : i32
        %add3A_241 = vector.broadcast %add3A_240 : i32 to vector<16xi32>
        %add3A_242 = arith.addi %get3A_1, %add3A_241 : vector<16xi32>
        %gather3A_243 = tpu.vector_load_idx %arg6[%add3A_242, %get3A_3] : memref<224x128xf32, #tpu.memory_space<vmem>>[vector<16xi32>, vector<16xi32>], vector<16xf32>,
        %mul3A_244 = arith.constant 8 : i32
        %mul3A_245 = arith.muli %scan3A_198, %mul3A_244 : i32
        %add3A_246 = arith.constant 3 : i32
        %add3A_247 = arith.addi %mul3A_245, %add3A_246 : i32
        %mul3A_248 = arith.constant 16 : i32
        %mul3A_249 = arith.muli %add3A_247, %mul3A_248 : i32
        %swap3A_250 = arith.index_cast %mul3A_249 : i32 to index
        %swap3A_251 = tpu.vector_load %arg10[%swap3A_250] {strides = array<i32>} : memref<896xf32, #tpu.memory_space<vmem>>, vector<16xf32>,
        tpu.vector_store %arg10[%swap3A_250], %gather3A_243 {strides = array<i32>} : memref<896xf32, #tpu.memory_space<vmem>>, vector<16xf32>,
        %add3A_252 = arith.constant 4 : i32
        %add3A_253 = arith.addi %mul3A_201, %add3A_252 : i32
        %add3A_254 = vector.broadcast %add3A_253 : i32 to vector<16xi32>
        %add3A_255 = arith.addi %get3A_1, %add3A_254 : vector<16xi32>
        %gather3A_256 = tpu.vector_load_idx %arg6[%add3A_255, %get3A_3] : memref<224x128xf32, #tpu.memory_space<vmem>>[vector<16xi32>, vector<16xi32>], vector<16xf32>,
        %mul3A_257 = arith.constant 8 : i32
        %mul3A_258 = arith.muli %scan3A_198, %mul3A_257 : i32
        %add3A_259 = arith.constant 4 : i32
        %add3A_260 = arith.addi %mul3A_258, %add3A_259 : i32
        %mul3A_261 = arith.constant 16 : i32
        %mul3A_262 = arith.muli %add3A_260, %mul3A_261 : i32
        %swap3A_263 = arith.index_cast %mul3A_262 : i32 to index
        %swap3A_264 = tpu.vector_load %arg10[%swap3A_263] {strides = array<i32>} : memref<896xf32, #tpu.memory_space<vmem>>, vector<16xf32>,
        tpu.vector_store %arg10[%swap3A_263], %gather3A_256 {strides = array<i32>} : memref<896xf32, #tpu.memory_space<vmem>>, vector<16xf32>,
        %add3A_265 = arith.constant 5 : i32
        %add3A_266 = arith.addi %mul3A_201, %add3A_265 : i32
        %add3A_267 = vector.broadcast %add3A_266 : i32 to vector<16xi32>
        %add3A_268 = arith.addi %get3A_1, %add3A_267 : vector<16xi32>
        %gather3A_269 = tpu.vector_load_idx %arg6[%add3A_268, %get3A_3] : memref<224x128xf32, #tpu.memory_space<vmem>>[vector<16xi32>, vector<16xi32>], vector<16xf32>,
        %mul3A_270 = arith.constant 8 : i32
        %mul3A_271 = arith.muli %scan3A_198, %mul3A_270 : i32
        %add3A_272 = arith.constant 5 : i32
        %add3A_273 = arith.addi %mul3A_271, %add3A_272 : i32
        %mul3A_274 = arith.constant 16 : i32
        %mul3A_275 = arith.muli %add3A_273, %mul3A_274 : i32
        %swap3A_276 = arith.index_cast %mul3A_275 : i32 to index
        %swap3A_277 = tpu.vector_load %arg10[%swap3A_276] {strides = array<i32>} : memref<896xf32, #tpu.memory_space<vmem>>, vector<16xf32>,
        tpu.vector_store %arg10[%swap3A_276], %gather3A_269 {strides = array<i32>} : memref<896xf32, #tpu.memory_space<vmem>>, vector<16xf32>,
        %add3A_278 = arith.constant 6 : i32
        %add3A_279 = arith.addi %mul3A_201, %add3A_278 : i32
        %add3A_280 = vector.broadcast %add3A_279 : i32 to vector<16xi32>
        %add3A_281 = arith.addi %get3A_1, %add3A_280 : vector<16xi32>
        %gather3A_282 = tpu.vector_load_idx %arg6[%add3A_281, %get3A_3] : memref<224x128xf32, #tpu.memory_space<vmem>>[vector<16xi32>, vector<16xi32>], vector<16xf32>,
        %mul3A_283 = arith.constant 8 : i32
        %mul3A_284 = arith.muli %scan3A_198, %mul3A_283 : i32
        %add3A_285 = arith.constant 6 : i32
        %add3A_286 = arith.addi %mul3A_284, %add3A_285 : i32
        %mul3A_287 = arith.constant 16 : i32
        %mul3A_288 = arith.muli %add3A_286, %mul3A_287 : i32
        %swap3A_289 = arith.index_cast %mul3A_288 : i32 to index
        %swap3A_290 = tpu.vector_load %arg10[%swap3A_289] {strides = array<i32>} : memref<896xf32, #tpu.memory_space<vmem>>, vector<16xf32>,
        tpu.vector_store %arg10[%swap3A_289], %gather3A_282 {strides = array<i32>} : memref<896xf32, #tpu.memory_space<vmem>>, vector<16xf32>,
        %add3A_291 = arith.constant 7 : i32
        %add3A_292 = arith.addi %mul3A_201, %add3A_291 : i32
        %add3A_293 = vector.broadcast %add3A_292 : i32 to vector<16xi32>
        %add3A_294 = arith.addi %get3A_1, %add3A_293 : vector<16xi32>
        %gather3A_295 = tpu.vector_load_idx %arg6[%add3A_294, %get3A_3] : memref<224x128xf32, #tpu.memory_space<vmem>>[vector<16xi32>, vector<16xi32>], vector<16xf32>,
        %mul3A_296 = arith.constant 8 : i32
        %mul3A_297 = arith.muli %scan3A_198, %mul3A_296 : i32
        %add3A_298 = arith.constant 7 : i32
        %add3A_299 = arith.addi %mul3A_297, %add3A_298 : i32
        %mul3A_300 = arith.constant 16 : i32
        %mul3A_301 = arith.muli %add3A_299, %mul3A_300 : i32
        %swap3A_302 = arith.index_cast %mul3A_301 : i32 to index
        %swap3A_303 = tpu.vector_load %arg10[%swap3A_302] {strides = array<i32>} : memref<896xf32, #tpu.memory_space<vmem>>, vector<16xf32>,
        tpu.vector_store %arg10[%swap3A_302], %gather3A_295 {strides = array<i32>} : memref<896xf32, #tpu.memory_space<vmem>>, vector<16xf32>,
        %scan3A_304 = arith.constant 0 : i32
        scf.yield %scan3A_304 : i32
      }
      %scan3A_72 = arith.constant 7 : i32
      %mul3A_73 = arith.constant 56 : i32
      %mul3A_74 = arith.muli %add3A_49, %mul3A_73 : i32
      %mul3A_75 = arith.constant 16 : i32
      %mul3A_76 = arith.muli %mul3A_74, %mul3A_75 : i32
      %add3A_77 = arith.addi %mul3A_13, %mul3A_76 : i32
      %dma_start3A_78 = tpu.memref_slice %arg4[%add3A_77] : memref<2408448xf32, #tpu.memory_space<hbm>> -> memref<896xf32, #tpu.memory_space<hbm>>
      %dma_start3A_79 = tpu.memref_slice %arg4[%add3A_77] : memref<2408448xf32, #tpu.memory_space<hbm>> -> memref<896xf32, #tpu.memory_space<hbm>>
      tpu.enqueue_dma source(%arg10 : memref<896xf32, #tpu.memory_space<vmem>>) target(%dma_start3A_79 : memref<896xf32, #tpu.memory_space<hbm>>) target_semaphore(%arg16 : memref<!tpu.dma_semaphore, #tpu.memory_space<semaphore_mem>>)
      %mul3A_80 = arith.constant 4 : i32
      %mul3A_81 = arith.muli %scan3A_44, %mul3A_80 : i32
      %add3A_82 = arith.constant 1 : i32
      %add3A_83 = arith.addi %mul3A_81, %add3A_82 : i32
      %add3A_84 = arith.constant 4 : i32
      %add3A_85 = arith.addi %add3A_83, %add3A_84 : i32
      %sub3A_86 = arith.constant 1 : i32
      %sub3A_87 = arith.subi %add3A_85, %sub3A_86 : i32
      %lt3A_88 = arith.constant 84 : i32
      %lt3A_89 = arith.cmpi slt, %sub3A_87, %lt3A_88 : i32
      %convert_element_type3A_90 = arith.extui %lt3A_89 : i1 to i32
      %cond3A_91 = arith.constant 0 : i32
      %cond3A_92 = arith.cmpi ne, %convert_element_type3A_90, %cond3A_91 : i32
      scf.if %cond3A_92 {
        %mul3A_198 = arith.constant 224 : i32
        %mul3A_199 = arith.muli %sub3A_87, %mul3A_198 : i32
        %add3A_200 = arith.addi %mul3A_7, %mul3A_199 : i32
        %dma_start3A_201 = arith.constant 0 : i32
        %dma_start3A_202 = tpu.memref_slice %arg2[%add3A_200, %dma_start3A_201] : memref<602112x128xf32, #tpu.memory_space<hbm>> -> memref<224x128xf32, #tpu.memory_space<hbm>>
        %dma_start3A_203 = arith.constant 0 : i32
        %dma_start3A_204 = tpu.memref_slice %arg2[%add3A_200, %dma_start3A_203] : memref<602112x128xf32, #tpu.memory_space<hbm>> -> memref<224x128xf32, #tpu.memory_space<hbm>>
        tpu.enqueue_dma source(%dma_start3A_204 : memref<224x128xf32, #tpu.memory_space<hbm>>) target(%arg6 : memref<224x128xf32, #tpu.memory_space<vmem>>) target_semaphore(%arg12 : memref<!tpu.dma_semaphore, #tpu.memory_space<semaphore_mem>>)
      } else {
      }
      %mul3A_93 = arith.constant 224 : i32
      %mul3A_94 = arith.muli %add3A_83, %mul3A_93 : i32
      %add3A_95 = arith.addi %mul3A_7, %mul3A_94 : i32
      %dma_wait3A_96 = arith.constant 0 : i32
      %dma_wait3A_97 = tpu.memref_slice %arg2[%add3A_95, %dma_wait3A_96] : memref<602112x128xf32, #tpu.memory_space<hbm>> -> memref<224x128xf32, #tpu.memory_space<hbm>>
      %dma_wait3A_98 = arith.constant 0 : i32
      %dma_wait3A_99 = tpu.memref_slice %arg2[%add3A_95, %dma_wait3A_98] : memref<602112x128xf32, #tpu.memory_space<hbm>> -> memref<224x128xf32, #tpu.memory_space<hbm>>
      tpu.wait_dma2 semaphore(%arg13 : memref<!tpu.dma_semaphore, #tpu.memory_space<semaphore_mem>>) src(%dma_wait3A_99 : memref<224x128xf32, #tpu.memory_space<hbm>>) dst(%arg7 : memref<224x128xf32, #tpu.memory_space<vmem>>)
      %ge3A_100 = arith.constant 2 : i32
      %ge3A_101 = arith.cmpi sge, %add3A_83, %ge3A_100 : i32
      %convert_element_type3A_102 = arith.extui %ge3A_101 : i1 to i32
      %cond3A_103 = arith.constant 0 : i32
      %cond3A_104 = arith.cmpi ne, %convert_element_type3A_102, %cond3A_103 : i32
      scf.if %cond3A_104 {
        %sub3A_198 = arith.constant 2 : i32
        %sub3A_199 = arith.subi %add3A_83, %sub3A_198 : i32
        %mul3A_200 = arith.constant 56 : i32
        %mul3A_201 = arith.muli %sub3A_199, %mul3A_200 : i32
        %mul3A_202 = arith.constant 16 : i32
        %mul3A_203 = arith.muli %mul3A_201, %mul3A_202 : i32
        %add3A_204 = arith.addi %mul3A_13, %mul3A_203 : i32
        %dma_wait3A_205 = tpu.memref_slice %arg4[%add3A_204] : memref<2408448xf32, #tpu.memory_space<hbm>> -> memref<896xf32, #tpu.memory_space<hbm>>
        %dma_wait3A_206 = tpu.memref_slice %arg4[%add3A_204] : memref<2408448xf32, #tpu.memory_space<hbm>> -> memref<896xf32, #tpu.memory_space<hbm>>
        tpu.wait_dma2 semaphore(%arg17 : memref<!tpu.dma_semaphore, #tpu.memory_space<semaphore_mem>>) src(%arg11 : memref<896xf32, #tpu.memory_space<vmem>>) dst(%dma_wait3A_206 : memref<896xf32, #tpu.memory_space<hbm>>)
      } else {
      }
      %scan3A_105 = arith.constant 0 : i32
      %scan3A_106 = arith.constant 0 : i32
      %scan3A_107 = arith.constant 7 : i32
      %scan3A_108 = arith.addi %scan3A_106, %scan3A_107 : i32
      %scan3A_109 = arith.constant 1 : i32
      %scan3A_110 = scf.for %scan3A_198 = %scan3A_106 to %scan3A_108 step %scan3A_109 iter_args(%scan3A_199 = %scan3A_105) -> (i32)  : i32 {
        %mul3A_200 = arith.constant 32 : i32
        %mul3A_201 = arith.muli %scan3A_198, %mul3A_200 : i32
        %add3A_202 = arith.constant 0 : i32
        %add3A_203 = arith.addi %mul3A_201, %add3A_202 : i32
        %add3A_204 = vector.broadcast %add3A_203 : i32 to vector<16xi32>
        %add3A_205 = arith.addi %get3A_1, %add3A_204 : vector<16xi32>
        %gather3A = tpu.vector_load_idx %arg7[%add3A_205, %get3A_3] : memref<224x128xf32, #tpu.memory_space<vmem>>[vector<16xi32>, vector<16xi32>], vector<16xf32>,
        %mul3A_206 = arith.constant 8 : i32
        %mul3A_207 = arith.muli %scan3A_198, %mul3A_206 : i32
        %add3A_208 = arith.constant 0 : i32
        %add3A_209 = arith.addi %mul3A_207, %add3A_208 : i32
        %mul3A_210 = arith.constant 16 : i32
        %mul3A_211 = arith.muli %add3A_209, %mul3A_210 : i32
        %swap3A = arith.index_cast %mul3A_211 : i32 to index
        %swap3A_212 = tpu.vector_load %arg11[%swap3A] {strides = array<i32>} : memref<896xf32, #tpu.memory_space<vmem>>, vector<16xf32>,
        tpu.vector_store %arg11[%swap3A], %gather3A {strides = array<i32>} : memref<896xf32, #tpu.memory_space<vmem>>, vector<16xf32>,
        %add3A_213 = arith.constant 1 : i32
        %add3A_214 = arith.addi %mul3A_201, %add3A_213 : i32
        %add3A_215 = vector.broadcast %add3A_214 : i32 to vector<16xi32>
        %add3A_216 = arith.addi %get3A_1, %add3A_215 : vector<16xi32>
        %gather3A_217 = tpu.vector_load_idx %arg7[%add3A_216, %get3A_3] : memref<224x128xf32, #tpu.memory_space<vmem>>[vector<16xi32>, vector<16xi32>], vector<16xf32>,
        %mul3A_218 = arith.constant 8 : i32
        %mul3A_219 = arith.muli %scan3A_198, %mul3A_218 : i32
        %add3A_220 = arith.constant 1 : i32
        %add3A_221 = arith.addi %mul3A_219, %add3A_220 : i32
        %mul3A_222 = arith.constant 16 : i32
        %mul3A_223 = arith.muli %add3A_221, %mul3A_222 : i32
        %swap3A_224 = arith.index_cast %mul3A_223 : i32 to index
        %swap3A_225 = tpu.vector_load %arg11[%swap3A_224] {strides = array<i32>} : memref<896xf32, #tpu.memory_space<vmem>>, vector<16xf32>,
        tpu.vector_store %arg11[%swap3A_224], %gather3A_217 {strides = array<i32>} : memref<896xf32, #tpu.memory_space<vmem>>, vector<16xf32>,
        %add3A_226 = arith.constant 2 : i32
        %add3A_227 = arith.addi %mul3A_201, %add3A_226 : i32
        %add3A_228 = vector.broadcast %add3A_227 : i32 to vector<16xi32>
        %add3A_229 = arith.addi %get3A_1, %add3A_228 : vector<16xi32>
        %gather3A_230 = tpu.vector_load_idx %arg7[%add3A_229, %get3A_3] : memref<224x128xf32, #tpu.memory_space<vmem>>[vector<16xi32>, vector<16xi32>], vector<16xf32>,
        %mul3A_231 = arith.constant 8 : i32
        %mul3A_232 = arith.muli %scan3A_198, %mul3A_231 : i32
        %add3A_233 = arith.constant 2 : i32
        %add3A_234 = arith.addi %mul3A_232, %add3A_233 : i32
        %mul3A_235 = arith.constant 16 : i32
        %mul3A_236 = arith.muli %add3A_234, %mul3A_235 : i32
        %swap3A_237 = arith.index_cast %mul3A_236 : i32 to index
        %swap3A_238 = tpu.vector_load %arg11[%swap3A_237] {strides = array<i32>} : memref<896xf32, #tpu.memory_space<vmem>>, vector<16xf32>,
        tpu.vector_store %arg11[%swap3A_237], %gather3A_230 {strides = array<i32>} : memref<896xf32, #tpu.memory_space<vmem>>, vector<16xf32>,
        %add3A_239 = arith.constant 3 : i32
        %add3A_240 = arith.addi %mul3A_201, %add3A_239 : i32
        %add3A_241 = vector.broadcast %add3A_240 : i32 to vector<16xi32>
        %add3A_242 = arith.addi %get3A_1, %add3A_241 : vector<16xi32>
        %gather3A_243 = tpu.vector_load_idx %arg7[%add3A_242, %get3A_3] : memref<224x128xf32, #tpu.memory_space<vmem>>[vector<16xi32>, vector<16xi32>], vector<16xf32>,
        %mul3A_244 = arith.constant 8 : i32
        %mul3A_245 = arith.muli %scan3A_198, %mul3A_244 : i32
        %add3A_246 = arith.constant 3 : i32
        %add3A_247 = arith.addi %mul3A_245, %add3A_246 : i32
        %mul3A_248 = arith.constant 16 : i32
        %mul3A_249 = arith.muli %add3A_247, %mul3A_248 : i32
        %swap3A_250 = arith.index_cast %mul3A_249 : i32 to index
        %swap3A_251 = tpu.vector_load %arg11[%swap3A_250] {strides = array<i32>} : memref<896xf32, #tpu.memory_space<vmem>>, vector<16xf32>,
        tpu.vector_store %arg11[%swap3A_250], %gather3A_243 {strides = array<i32>} : memref<896xf32, #tpu.memory_space<vmem>>, vector<16xf32>,
        %add3A_252 = arith.constant 4 : i32
        %add3A_253 = arith.addi %mul3A_201, %add3A_252 : i32
        %add3A_254 = vector.broadcast %add3A_253 : i32 to vector<16xi32>
        %add3A_255 = arith.addi %get3A_1, %add3A_254 : vector<16xi32>
        %gather3A_256 = tpu.vector_load_idx %arg7[%add3A_255, %get3A_3] : memref<224x128xf32, #tpu.memory_space<vmem>>[vector<16xi32>, vector<16xi32>], vector<16xf32>,
        %mul3A_257 = arith.constant 8 : i32
        %mul3A_258 = arith.muli %scan3A_198, %mul3A_257 : i32
        %add3A_259 = arith.constant 4 : i32
        %add3A_260 = arith.addi %mul3A_258, %add3A_259 : i32
        %mul3A_261 = arith.constant 16 : i32
        %mul3A_262 = arith.muli %add3A_260, %mul3A_261 : i32
        %swap3A_263 = arith.index_cast %mul3A_262 : i32 to index
        %swap3A_264 = tpu.vector_load %arg11[%swap3A_263] {strides = array<i32>} : memref<896xf32, #tpu.memory_space<vmem>>, vector<16xf32>,
        tpu.vector_store %arg11[%swap3A_263], %gather3A_256 {strides = array<i32>} : memref<896xf32, #tpu.memory_space<vmem>>, vector<16xf32>,
        %add3A_265 = arith.constant 5 : i32
        %add3A_266 = arith.addi %mul3A_201, %add3A_265 : i32
        %add3A_267 = vector.broadcast %add3A_266 : i32 to vector<16xi32>
        %add3A_268 = arith.addi %get3A_1, %add3A_267 : vector<16xi32>
        %gather3A_269 = tpu.vector_load_idx %arg7[%add3A_268, %get3A_3] : memref<224x128xf32, #tpu.memory_space<vmem>>[vector<16xi32>, vector<16xi32>], vector<16xf32>,
        %mul3A_270 = arith.constant 8 : i32
        %mul3A_271 = arith.muli %scan3A_198, %mul3A_270 : i32
        %add3A_272 = arith.constant 5 : i32
        %add3A_273 = arith.addi %mul3A_271, %add3A_272 : i32
        %mul3A_274 = arith.constant 16 : i32
        %mul3A_275 = arith.muli %add3A_273, %mul3A_274 : i32
        %swap3A_276 = arith.index_cast %mul3A_275 : i32 to index
        %swap3A_277 = tpu.vector_load %arg11[%swap3A_276] {strides = array<i32>} : memref<896xf32, #tpu.memory_space<vmem>>, vector<16xf32>,
        tpu.vector_store %arg11[%swap3A_276], %gather3A_269 {strides = array<i32>} : memref<896xf32, #tpu.memory_space<vmem>>, vector<16xf32>,
        %add3A_278 = arith.constant 6 : i32
        %add3A_279 = arith.addi %mul3A_201, %add3A_278 : i32
        %add3A_280 = vector.broadcast %add3A_279 : i32 to vector<16xi32>
        %add3A_281 = arith.addi %get3A_1, %add3A_280 : vector<16xi32>
        %gather3A_282 = tpu.vector_load_idx %arg7[%add3A_281, %get3A_3] : memref<224x128xf32, #tpu.memory_space<vmem>>[vector<16xi32>, vector<16xi32>], vector<16xf32>,
        %mul3A_283 = arith.constant 8 : i32
        %mul3A_284 = arith.muli %scan3A_198, %mul3A_283 : i32
        %add3A_285 = arith.constant 6 : i32
        %add3A_286 = arith.addi %mul3A_284, %add3A_285 : i32
        %mul3A_287 = arith.constant 16 : i32
        %mul3A_288 = arith.muli %add3A_286, %mul3A_287 : i32
        %swap3A_289 = arith.index_cast %mul3A_288 : i32 to index
        %swap3A_290 = tpu.vector_load %arg11[%swap3A_289] {strides = array<i32>} : memref<896xf32, #tpu.memory_space<vmem>>, vector<16xf32>,
        tpu.vector_store %arg11[%swap3A_289], %gather3A_282 {strides = array<i32>} : memref<896xf32, #tpu.memory_space<vmem>>, vector<16xf32>,
        %add3A_291 = arith.constant 7 : i32
        %add3A_292 = arith.addi %mul3A_201, %add3A_291 : i32
        %add3A_293 = vector.broadcast %add3A_292 : i32 to vector<16xi32>
        %add3A_294 = arith.addi %get3A_1, %add3A_293 : vector<16xi32>
        %gather3A_295 = tpu.vector_load_idx %arg7[%add3A_294, %get3A_3] : memref<224x128xf32, #tpu.memory_space<vmem>>[vector<16xi32>, vector<16xi32>], vector<16xf32>,
        %mul3A_296 = arith.constant 8 : i32
        %mul3A_297 = arith.muli %scan3A_198, %mul3A_296 : i32
        %add3A_298 = arith.constant 7 : i32
        %add3A_299 = arith.addi %mul3A_297, %add3A_298 : i32
        %mul3A_300 = arith.constant 16 : i32
        %mul3A_301 = arith.muli %add3A_299, %mul3A_300 : i32
        %swap3A_302 = arith.index_cast %mul3A_301 : i32 to index
        %swap3A_303 = tpu.vector_load %arg11[%swap3A_302] {strides = array<i32>} : memref<896xf32, #tpu.memory_space<vmem>>, vector<16xf32>,
        tpu.vector_store %arg11[%swap3A_302], %gather3A_295 {strides = array<i32>} : memref<896xf32, #tpu.memory_space<vmem>>, vector<16xf32>,
        %scan3A_304 = arith.constant 0 : i32
        scf.yield %scan3A_304 : i32
      }
      %scan3A_111 = arith.constant 7 : i32
      %mul3A_112 = arith.constant 56 : i32
      %mul3A_113 = arith.muli %add3A_83, %mul3A_112 : i32
      %mul3A_114 = arith.constant 16 : i32
      %mul3A_115 = arith.muli %mul3A_113, %mul3A_114 : i32
      %add3A_116 = arith.addi %mul3A_13, %mul3A_115 : i32
      %dma_start3A_117 = tpu.memref_slice %arg4[%add3A_116] : memref<2408448xf32, #tpu.memory_space<hbm>> -> memref<896xf32, #tpu.memory_space<hbm>>
      %dma_start3A_118 = tpu.memref_slice %arg4[%add3A_116] : memref<2408448xf32, #tpu.memory_space<hbm>> -> memref<896xf32, #tpu.memory_space<hbm>>
      tpu.enqueue_dma source(%arg11 : memref<896xf32, #tpu.memory_space<vmem>>) target(%dma_start3A_118 : memref<896xf32, #tpu.memory_space<hbm>>) target_semaphore(%arg17 : memref<!tpu.dma_semaphore, #tpu.memory_space<semaphore_mem>>)
      %mul3A_119 = arith.constant 4 : i32
      %mul3A_120 = arith.muli %scan3A_44, %mul3A_119 : i32
      %add3A_121 = arith.constant 2 : i32
      %add3A_122 = arith.addi %mul3A_120, %add3A_121 : i32
      %add3A_123 = arith.constant 4 : i32
      %add3A_124 = arith.addi %add3A_122, %add3A_123 : i32
      %sub3A_125 = arith.constant 1 : i32
      %sub3A_126 = arith.subi %add3A_124, %sub3A_125 : i32
      %lt3A_127 = arith.constant 84 : i32
      %lt3A_128 = arith.cmpi slt, %sub3A_126, %lt3A_127 : i32
      %convert_element_type3A_129 = arith.extui %lt3A_128 : i1 to i32
      %cond3A_130 = arith.constant 0 : i32
      %cond3A_131 = arith.cmpi ne, %convert_element_type3A_129, %cond3A_130 : i32
      scf.if %cond3A_131 {
        %mul3A_198 = arith.constant 224 : i32
        %mul3A_199 = arith.muli %sub3A_126, %mul3A_198 : i32
        %add3A_200 = arith.addi %mul3A_7, %mul3A_199 : i32
        %dma_start3A_201 = arith.constant 0 : i32
        %dma_start3A_202 = tpu.memref_slice %arg2[%add3A_200, %dma_start3A_201] : memref<602112x128xf32, #tpu.memory_space<hbm>> -> memref<224x128xf32, #tpu.memory_space<hbm>>
        %dma_start3A_203 = arith.constant 0 : i32
        %dma_start3A_204 = tpu.memref_slice %arg2[%add3A_200, %dma_start3A_203] : memref<602112x128xf32, #tpu.memory_space<hbm>> -> memref<224x128xf32, #tpu.memory_space<hbm>>
        tpu.enqueue_dma source(%dma_start3A_204 : memref<224x128xf32, #tpu.memory_space<hbm>>) target(%arg7 : memref<224x128xf32, #tpu.memory_space<vmem>>) target_semaphore(%arg13 : memref<!tpu.dma_semaphore, #tpu.memory_space<semaphore_mem>>)
      } else {
      }
      %mul3A_132 = arith.constant 224 : i32
      %mul3A_133 = arith.muli %add3A_122, %mul3A_132 : i32
      %add3A_134 = arith.addi %mul3A_7, %mul3A_133 : i32
      %dma_wait3A_135 = arith.constant 0 : i32
      %dma_wait3A_136 = tpu.memref_slice %arg2[%add3A_134, %dma_wait3A_135] : memref<602112x128xf32, #tpu.memory_space<hbm>> -> memref<224x128xf32, #tpu.memory_space<hbm>>
      %dma_wait3A_137 = arith.constant 0 : i32
      %dma_wait3A_138 = tpu.memref_slice %arg2[%add3A_134, %dma_wait3A_137] : memref<602112x128xf32, #tpu.memory_space<hbm>> -> memref<224x128xf32, #tpu.memory_space<hbm>>
      tpu.wait_dma2 semaphore(%arg14 : memref<!tpu.dma_semaphore, #tpu.memory_space<semaphore_mem>>) src(%dma_wait3A_138 : memref<224x128xf32, #tpu.memory_space<hbm>>) dst(%arg8 : memref<224x128xf32, #tpu.memory_space<vmem>>)
      %ge3A_139 = arith.constant 2 : i32
      %ge3A_140 = arith.cmpi sge, %add3A_122, %ge3A_139 : i32
      %convert_element_type3A_141 = arith.extui %ge3A_140 : i1 to i32
      %cond3A_142 = arith.constant 0 : i32
      %cond3A_143 = arith.cmpi ne, %convert_element_type3A_141, %cond3A_142 : i32
      scf.if %cond3A_143 {
        %sub3A_198 = arith.constant 2 : i32
        %sub3A_199 = arith.subi %add3A_122, %sub3A_198 : i32
        %mul3A_200 = arith.constant 56 : i32
        %mul3A_201 = arith.muli %sub3A_199, %mul3A_200 : i32
        %mul3A_202 = arith.constant 16 : i32
        %mul3A_203 = arith.muli %mul3A_201, %mul3A_202 : i32
        %add3A_204 = arith.addi %mul3A_13, %mul3A_203 : i32
        %dma_wait3A_205 = tpu.memref_slice %arg4[%add3A_204] : memref<2408448xf32, #tpu.memory_space<hbm>> -> memref<896xf32, #tpu.memory_space<hbm>>
        %dma_wait3A_206 = tpu.memref_slice %arg4[%add3A_204] : memref<2408448xf32, #tpu.memory_space<hbm>> -> memref<896xf32, #tpu.memory_space<hbm>>
        tpu.wait_dma2 semaphore(%arg16 : memref<!tpu.dma_semaphore, #tpu.memory_space<semaphore_mem>>) src(%arg10 : memref<896xf32, #tpu.memory_space<vmem>>) dst(%dma_wait3A_206 : memref<896xf32, #tpu.memory_space<hbm>>)
      } else {
      }
      %scan3A_144 = arith.constant 0 : i32
      %scan3A_145 = arith.constant 0 : i32
      %scan3A_146 = arith.constant 7 : i32
      %scan3A_147 = arith.addi %scan3A_145, %scan3A_146 : i32
      %scan3A_148 = arith.constant 1 : i32
      %scan3A_149 = scf.for %scan3A_198 = %scan3A_145 to %scan3A_147 step %scan3A_148 iter_args(%scan3A_199 = %scan3A_144) -> (i32)  : i32 {
        %mul3A_200 = arith.constant 32 : i32
        %mul3A_201 = arith.muli %scan3A_198, %mul3A_200 : i32
        %add3A_202 = arith.constant 0 : i32
        %add3A_203 = arith.addi %mul3A_201, %add3A_202 : i32
        %add3A_204 = vector.broadcast %add3A_203 : i32 to vector<16xi32>
        %add3A_205 = arith.addi %get3A_1, %add3A_204 : vector<16xi32>
        %gather3A = tpu.vector_load_idx %arg8[%add3A_205, %get3A_3] : memref<224x128xf32, #tpu.memory_space<vmem>>[vector<16xi32>, vector<16xi32>], vector<16xf32>,
        %mul3A_206 = arith.constant 8 : i32
        %mul3A_207 = arith.muli %scan3A_198, %mul3A_206 : i32
        %add3A_208 = arith.constant 0 : i32
        %add3A_209 = arith.addi %mul3A_207, %add3A_208 : i32
        %mul3A_210 = arith.constant 16 : i32
        %mul3A_211 = arith.muli %add3A_209, %mul3A_210 : i32
        %swap3A = arith.index_cast %mul3A_211 : i32 to index
        %swap3A_212 = tpu.vector_load %arg10[%swap3A] {strides = array<i32>} : memref<896xf32, #tpu.memory_space<vmem>>, vector<16xf32>,
        tpu.vector_store %arg10[%swap3A], %gather3A {strides = array<i32>} : memref<896xf32, #tpu.memory_space<vmem>>, vector<16xf32>,
        %add3A_213 = arith.constant 1 : i32
        %add3A_214 = arith.addi %mul3A_201, %add3A_213 : i32
        %add3A_215 = vector.broadcast %add3A_214 : i32 to vector<16xi32>
        %add3A_216 = arith.addi %get3A_1, %add3A_215 : vector<16xi32>
        %gather3A_217 = tpu.vector_load_idx %arg8[%add3A_216, %get3A_3] : memref<224x128xf32, #tpu.memory_space<vmem>>[vector<16xi32>, vector<16xi32>], vector<16xf32>,
        %mul3A_218 = arith.constant 8 : i32
        %mul3A_219 = arith.muli %scan3A_198, %mul3A_218 : i32
        %add3A_220 = arith.constant 1 : i32
        %add3A_221 = arith.addi %mul3A_219, %add3A_220 : i32
        %mul3A_222 = arith.constant 16 : i32
        %mul3A_223 = arith.muli %add3A_221, %mul3A_222 : i32
        %swap3A_224 = arith.index_cast %mul3A_223 : i32 to index
        %swap3A_225 = tpu.vector_load %arg10[%swap3A_224] {strides = array<i32>} : memref<896xf32, #tpu.memory_space<vmem>>, vector<16xf32>,
        tpu.vector_store %arg10[%swap3A_224], %gather3A_217 {strides = array<i32>} : memref<896xf32, #tpu.memory_space<vmem>>, vector<16xf32>,
        %add3A_226 = arith.constant 2 : i32
        %add3A_227 = arith.addi %mul3A_201, %add3A_226 : i32
        %add3A_228 = vector.broadcast %add3A_227 : i32 to vector<16xi32>
        %add3A_229 = arith.addi %get3A_1, %add3A_228 : vector<16xi32>
        %gather3A_230 = tpu.vector_load_idx %arg8[%add3A_229, %get3A_3] : memref<224x128xf32, #tpu.memory_space<vmem>>[vector<16xi32>, vector<16xi32>], vector<16xf32>,
        %mul3A_231 = arith.constant 8 : i32
        %mul3A_232 = arith.muli %scan3A_198, %mul3A_231 : i32
        %add3A_233 = arith.constant 2 : i32
        %add3A_234 = arith.addi %mul3A_232, %add3A_233 : i32
        %mul3A_235 = arith.constant 16 : i32
        %mul3A_236 = arith.muli %add3A_234, %mul3A_235 : i32
        %swap3A_237 = arith.index_cast %mul3A_236 : i32 to index
        %swap3A_238 = tpu.vector_load %arg10[%swap3A_237] {strides = array<i32>} : memref<896xf32, #tpu.memory_space<vmem>>, vector<16xf32>,
        tpu.vector_store %arg10[%swap3A_237], %gather3A_230 {strides = array<i32>} : memref<896xf32, #tpu.memory_space<vmem>>, vector<16xf32>,
        %add3A_239 = arith.constant 3 : i32
        %add3A_240 = arith.addi %mul3A_201, %add3A_239 : i32
        %add3A_241 = vector.broadcast %add3A_240 : i32 to vector<16xi32>
        %add3A_242 = arith.addi %get3A_1, %add3A_241 : vector<16xi32>
        %gather3A_243 = tpu.vector_load_idx %arg8[%add3A_242, %get3A_3] : memref<224x128xf32, #tpu.memory_space<vmem>>[vector<16xi32>, vector<16xi32>], vector<16xf32>,
        %mul3A_244 = arith.constant 8 : i32
        %mul3A_245 = arith.muli %scan3A_198, %mul3A_244 : i32
        %add3A_246 = arith.constant 3 : i32
        %add3A_247 = arith.addi %mul3A_245, %add3A_246 : i32
        %mul3A_248 = arith.constant 16 : i32
        %mul3A_249 = arith.muli %add3A_247, %mul3A_248 : i32
        %swap3A_250 = arith.index_cast %mul3A_249 : i32 to index
        %swap3A_251 = tpu.vector_load %arg10[%swap3A_250] {strides = array<i32>} : memref<896xf32, #tpu.memory_space<vmem>>, vector<16xf32>,
        tpu.vector_store %arg10[%swap3A_250], %gather3A_243 {strides = array<i32>} : memref<896xf32, #tpu.memory_space<vmem>>, vector<16xf32>,
        %add3A_252 = arith.constant 4 : i32
        %add3A_253 = arith.addi %mul3A_201, %add3A_252 : i32
        %add3A_254 = vector.broadcast %add3A_253 : i32 to vector<16xi32>
        %add3A_255 = arith.addi %get3A_1, %add3A_254 : vector<16xi32>
        %gather3A_256 = tpu.vector_load_idx %arg8[%add3A_255, %get3A_3] : memref<224x128xf32, #tpu.memory_space<vmem>>[vector<16xi32>, vector<16xi32>], vector<16xf32>,
        %mul3A_257 = arith.constant 8 : i32
        %mul3A_258 = arith.muli %scan3A_198, %mul3A_257 : i32
        %add3A_259 = arith.constant 4 : i32
        %add3A_260 = arith.addi %mul3A_258, %add3A_259 : i32
        %mul3A_261 = arith.constant 16 : i32
        %mul3A_262 = arith.muli %add3A_260, %mul3A_261 : i32
        %swap3A_263 = arith.index_cast %mul3A_262 : i32 to index
        %swap3A_264 = tpu.vector_load %arg10[%swap3A_263] {strides = array<i32>} : memref<896xf32, #tpu.memory_space<vmem>>, vector<16xf32>,
        tpu.vector_store %arg10[%swap3A_263], %gather3A_256 {strides = array<i32>} : memref<896xf32, #tpu.memory_space<vmem>>, vector<16xf32>,
        %add3A_265 = arith.constant 5 : i32
        %add3A_266 = arith.addi %mul3A_201, %add3A_265 : i32
        %add3A_267 = vector.broadcast %add3A_266 : i32 to vector<16xi32>
        %add3A_268 = arith.addi %get3A_1, %add3A_267 : vector<16xi32>
        %gather3A_269 = tpu.vector_load_idx %arg8[%add3A_268, %get3A_3] : memref<224x128xf32, #tpu.memory_space<vmem>>[vector<16xi32>, vector<16xi32>], vector<16xf32>,
        %mul3A_270 = arith.constant 8 : i32
        %mul3A_271 = arith.muli %scan3A_198, %mul3A_270 : i32
        %add3A_272 = arith.constant 5 : i32
        %add3A_273 = arith.addi %mul3A_271, %add3A_272 : i32
        %mul3A_274 = arith.constant 16 : i32
        %mul3A_275 = arith.muli %add3A_273, %mul3A_274 : i32
        %swap3A_276 = arith.index_cast %mul3A_275 : i32 to index
        %swap3A_277 = tpu.vector_load %arg10[%swap3A_276] {strides = array<i32>} : memref<896xf32, #tpu.memory_space<vmem>>, vector<16xf32>,
        tpu.vector_store %arg10[%swap3A_276], %gather3A_269 {strides = array<i32>} : memref<896xf32, #tpu.memory_space<vmem>>, vector<16xf32>,
        %add3A_278 = arith.constant 6 : i32
        %add3A_279 = arith.addi %mul3A_201, %add3A_278 : i32
        %add3A_280 = vector.broadcast %add3A_279 : i32 to vector<16xi32>
        %add3A_281 = arith.addi %get3A_1, %add3A_280 : vector<16xi32>
        %gather3A_282 = tpu.vector_load_idx %arg8[%add3A_281, %get3A_3] : memref<224x128xf32, #tpu.memory_space<vmem>>[vector<16xi32>, vector<16xi32>], vector<16xf32>,
        %mul3A_283 = arith.constant 8 : i32
        %mul3A_284 = arith.muli %scan3A_198, %mul3A_283 : i32
        %add3A_285 = arith.constant 6 : i32
        %add3A_286 = arith.addi %mul3A_284, %add3A_285 : i32
        %mul3A_287 = arith.constant 16 : i32
        %mul3A_288 = arith.muli %add3A_286, %mul3A_287 : i32
        %swap3A_289 = arith.index_cast %mul3A_288 : i32 to index
        %swap3A_290 = tpu.vector_load %arg10[%swap3A_289] {strides = array<i32>} : memref<896xf32, #tpu.memory_space<vmem>>, vector<16xf32>,
        tpu.vector_store %arg10[%swap3A_289], %gather3A_282 {strides = array<i32>} : memref<896xf32, #tpu.memory_space<vmem>>, vector<16xf32>,
        %add3A_291 = arith.constant 7 : i32
        %add3A_292 = arith.addi %mul3A_201, %add3A_291 : i32
        %add3A_293 = vector.broadcast %add3A_292 : i32 to vector<16xi32>
        %add3A_294 = arith.addi %get3A_1, %add3A_293 : vector<16xi32>
        %gather3A_295 = tpu.vector_load_idx %arg8[%add3A_294, %get3A_3] : memref<224x128xf32, #tpu.memory_space<vmem>>[vector<16xi32>, vector<16xi32>], vector<16xf32>,
        %mul3A_296 = arith.constant 8 : i32
        %mul3A_297 = arith.muli %scan3A_198, %mul3A_296 : i32
        %add3A_298 = arith.constant 7 : i32
        %add3A_299 = arith.addi %mul3A_297, %add3A_298 : i32
        %mul3A_300 = arith.constant 16 : i32
        %mul3A_301 = arith.muli %add3A_299, %mul3A_300 : i32
        %swap3A_302 = arith.index_cast %mul3A_301 : i32 to index
        %swap3A_303 = tpu.vector_load %arg10[%swap3A_302] {strides = array<i32>} : memref<896xf32, #tpu.memory_space<vmem>>, vector<16xf32>,
        tpu.vector_store %arg10[%swap3A_302], %gather3A_295 {strides = array<i32>} : memref<896xf32, #tpu.memory_space<vmem>>, vector<16xf32>,
        %scan3A_304 = arith.constant 0 : i32
        scf.yield %scan3A_304 : i32
      }
      %scan3A_150 = arith.constant 7 : i32
      %mul3A_151 = arith.constant 56 : i32
      %mul3A_152 = arith.muli %add3A_122, %mul3A_151 : i32
      %mul3A_153 = arith.constant 16 : i32
      %mul3A_154 = arith.muli %mul3A_152, %mul3A_153 : i32
      %add3A_155 = arith.addi %mul3A_13, %mul3A_154 : i32
      %dma_start3A_156 = tpu.memref_slice %arg4[%add3A_155] : memref<2408448xf32, #tpu.memory_space<hbm>> -> memref<896xf32, #tpu.memory_space<hbm>>
      %dma_start3A_157 = tpu.memref_slice %arg4[%add3A_155] : memref<2408448xf32, #tpu.memory_space<hbm>> -> memref<896xf32, #tpu.memory_space<hbm>>
      tpu.enqueue_dma source(%arg10 : memref<896xf32, #tpu.memory_space<vmem>>) target(%dma_start3A_157 : memref<896xf32, #tpu.memory_space<hbm>>) target_semaphore(%arg16 : memref<!tpu.dma_semaphore, #tpu.memory_space<semaphore_mem>>)
      %mul3A_158 = arith.constant 4 : i32
      %mul3A_159 = arith.muli %scan3A_44, %mul3A_158 : i32
      %add3A_160 = arith.constant 3 : i32
      %add3A_161 = arith.addi %mul3A_159, %add3A_160 : i32
      %add3A_162 = arith.constant 4 : i32
      %add3A_163 = arith.addi %add3A_161, %add3A_162 : i32
      %sub3A_164 = arith.constant 1 : i32
      %sub3A_165 = arith.subi %add3A_163, %sub3A_164 : i32
      %lt3A_166 = arith.constant 84 : i32
      %lt3A_167 = arith.cmpi slt, %sub3A_165, %lt3A_166 : i32
      %convert_element_type3A_168 = arith.extui %lt3A_167 : i1 to i32
      %cond3A_169 = arith.constant 0 : i32
      %cond3A_170 = arith.cmpi ne, %convert_element_type3A_168, %cond3A_169 : i32
      scf.if %cond3A_170 {
        %mul3A_198 = arith.constant 224 : i32
        %mul3A_199 = arith.muli %sub3A_165, %mul3A_198 : i32
        %add3A_200 = arith.addi %mul3A_7, %mul3A_199 : i32
        %dma_start3A_201 = arith.constant 0 : i32
        %dma_start3A_202 = tpu.memref_slice %arg2[%add3A_200, %dma_start3A_201] : memref<602112x128xf32, #tpu.memory_space<hbm>> -> memref<224x128xf32, #tpu.memory_space<hbm>>
        %dma_start3A_203 = arith.constant 0 : i32
        %dma_start3A_204 = tpu.memref_slice %arg2[%add3A_200, %dma_start3A_203] : memref<602112x128xf32, #tpu.memory_space<hbm>> -> memref<224x128xf32, #tpu.memory_space<hbm>>
        tpu.enqueue_dma source(%dma_start3A_204 : memref<224x128xf32, #tpu.memory_space<hbm>>) target(%arg8 : memref<224x128xf32, #tpu.memory_space<vmem>>) target_semaphore(%arg14 : memref<!tpu.dma_semaphore, #tpu.memory_space<semaphore_mem>>)
      } else {
      }
      %mul3A_171 = arith.constant 224 : i32
      %mul3A_172 = arith.muli %add3A_161, %mul3A_171 : i32
      %add3A_173 = arith.addi %mul3A_7, %mul3A_172 : i32
      %dma_wait3A_174 = arith.constant 0 : i32
      %dma_wait3A_175 = tpu.memref_slice %arg2[%add3A_173, %dma_wait3A_174] : memref<602112x128xf32, #tpu.memory_space<hbm>> -> memref<224x128xf32, #tpu.memory_space<hbm>>
      %dma_wait3A_176 = arith.constant 0 : i32
      %dma_wait3A_177 = tpu.memref_slice %arg2[%add3A_173, %dma_wait3A_176] : memref<602112x128xf32, #tpu.memory_space<hbm>> -> memref<224x128xf32, #tpu.memory_space<hbm>>
      tpu.wait_dma2 semaphore(%arg15 : memref<!tpu.dma_semaphore, #tpu.memory_space<semaphore_mem>>) src(%dma_wait3A_177 : memref<224x128xf32, #tpu.memory_space<hbm>>) dst(%arg9 : memref<224x128xf32, #tpu.memory_space<vmem>>)
      %ge3A_178 = arith.constant 2 : i32
      %ge3A_179 = arith.cmpi sge, %add3A_161, %ge3A_178 : i32
      %convert_element_type3A_180 = arith.extui %ge3A_179 : i1 to i32
      %cond3A_181 = arith.constant 0 : i32
      %cond3A_182 = arith.cmpi ne, %convert_element_type3A_180, %cond3A_181 : i32
      scf.if %cond3A_182 {
        %sub3A_198 = arith.constant 2 : i32
        %sub3A_199 = arith.subi %add3A_161, %sub3A_198 : i32
        %mul3A_200 = arith.constant 56 : i32
        %mul3A_201 = arith.muli %sub3A_199, %mul3A_200 : i32
        %mul3A_202 = arith.constant 16 : i32
        %mul3A_203 = arith.muli %mul3A_201, %mul3A_202 : i32
        %add3A_204 = arith.addi %mul3A_13, %mul3A_203 : i32
        %dma_wait3A_205 = tpu.memref_slice %arg4[%add3A_204] : memref<2408448xf32, #tpu.memory_space<hbm>> -> memref<896xf32, #tpu.memory_space<hbm>>
        %dma_wait3A_206 = tpu.memref_slice %arg4[%add3A_204] : memref<2408448xf32, #tpu.memory_space<hbm>> -> memref<896xf32, #tpu.memory_space<hbm>>
        tpu.wait_dma2 semaphore(%arg17 : memref<!tpu.dma_semaphore, #tpu.memory_space<semaphore_mem>>) src(%arg11 : memref<896xf32, #tpu.memory_space<vmem>>) dst(%dma_wait3A_206 : memref<896xf32, #tpu.memory_space<hbm>>)
      } else {
      }
      %scan3A_183 = arith.constant 0 : i32
      %scan3A_184 = arith.constant 0 : i32
      %scan3A_185 = arith.constant 7 : i32
      %scan3A_186 = arith.addi %scan3A_184, %scan3A_185 : i32
      %scan3A_187 = arith.constant 1 : i32
      %scan3A_188 = scf.for %scan3A_198 = %scan3A_184 to %scan3A_186 step %scan3A_187 iter_args(%scan3A_199 = %scan3A_183) -> (i32)  : i32 {
        %mul3A_200 = arith.constant 32 : i32
        %mul3A_201 = arith.muli %scan3A_198, %mul3A_200 : i32
        %add3A_202 = arith.constant 0 : i32
        %add3A_203 = arith.addi %mul3A_201, %add3A_202 : i32
        %add3A_204 = vector.broadcast %add3A_203 : i32 to vector<16xi32>
        %add3A_205 = arith.addi %get3A_1, %add3A_204 : vector<16xi32>
        %gather3A = tpu.vector_load_idx %arg9[%add3A_205, %get3A_3] : memref<224x128xf32, #tpu.memory_space<vmem>>[vector<16xi32>, vector<16xi32>], vector<16xf32>,
        %mul3A_206 = arith.constant 8 : i32
        %mul3A_207 = arith.muli %scan3A_198, %mul3A_206 : i32
        %add3A_208 = arith.constant 0 : i32
        %add3A_209 = arith.addi %mul3A_207, %add3A_208 : i32
        %mul3A_210 = arith.constant 16 : i32
        %mul3A_211 = arith.muli %add3A_209, %mul3A_210 : i32
        %swap3A = arith.index_cast %mul3A_211 : i32 to index
        %swap3A_212 = tpu.vector_load %arg11[%swap3A] {strides = array<i32>} : memref<896xf32, #tpu.memory_space<vmem>>, vector<16xf32>,
        tpu.vector_store %arg11[%swap3A], %gather3A {strides = array<i32>} : memref<896xf32, #tpu.memory_space<vmem>>, vector<16xf32>,
        %add3A_213 = arith.constant 1 : i32
        %add3A_214 = arith.addi %mul3A_201, %add3A_213 : i32
        %add3A_215 = vector.broadcast %add3A_214 : i32 to vector<16xi32>
        %add3A_216 = arith.addi %get3A_1, %add3A_215 : vector<16xi32>
        %gather3A_217 = tpu.vector_load_idx %arg9[%add3A_216, %get3A_3] : memref<224x128xf32, #tpu.memory_space<vmem>>[vector<16xi32>, vector<16xi32>], vector<16xf32>,
        %mul3A_218 = arith.constant 8 : i32
        %mul3A_219 = arith.muli %scan3A_198, %mul3A_218 : i32
        %add3A_220 = arith.constant 1 : i32
        %add3A_221 = arith.addi %mul3A_219, %add3A_220 : i32
        %mul3A_222 = arith.constant 16 : i32
        %mul3A_223 = arith.muli %add3A_221, %mul3A_222 : i32
        %swap3A_224 = arith.index_cast %mul3A_223 : i32 to index
        %swap3A_225 = tpu.vector_load %arg11[%swap3A_224] {strides = array<i32>} : memref<896xf32, #tpu.memory_space<vmem>>, vector<16xf32>,
        tpu.vector_store %arg11[%swap3A_224], %gather3A_217 {strides = array<i32>} : memref<896xf32, #tpu.memory_space<vmem>>, vector<16xf32>,
        %add3A_226 = arith.constant 2 : i32
        %add3A_227 = arith.addi %mul3A_201, %add3A_226 : i32
        %add3A_228 = vector.broadcast %add3A_227 : i32 to vector<16xi32>
        %add3A_229 = arith.addi %get3A_1, %add3A_228 : vector<16xi32>
        %gather3A_230 = tpu.vector_load_idx %arg9[%add3A_229, %get3A_3] : memref<224x128xf32, #tpu.memory_space<vmem>>[vector<16xi32>, vector<16xi32>], vector<16xf32>,
        %mul3A_231 = arith.constant 8 : i32
        %mul3A_232 = arith.muli %scan3A_198, %mul3A_231 : i32
        %add3A_233 = arith.constant 2 : i32
        %add3A_234 = arith.addi %mul3A_232, %add3A_233 : i32
        %mul3A_235 = arith.constant 16 : i32
        %mul3A_236 = arith.muli %add3A_234, %mul3A_235 : i32
        %swap3A_237 = arith.index_cast %mul3A_236 : i32 to index
        %swap3A_238 = tpu.vector_load %arg11[%swap3A_237] {strides = array<i32>} : memref<896xf32, #tpu.memory_space<vmem>>, vector<16xf32>,
        tpu.vector_store %arg11[%swap3A_237], %gather3A_230 {strides = array<i32>} : memref<896xf32, #tpu.memory_space<vmem>>, vector<16xf32>,
        %add3A_239 = arith.constant 3 : i32
        %add3A_240 = arith.addi %mul3A_201, %add3A_239 : i32
        %add3A_241 = vector.broadcast %add3A_240 : i32 to vector<16xi32>
        %add3A_242 = arith.addi %get3A_1, %add3A_241 : vector<16xi32>
        %gather3A_243 = tpu.vector_load_idx %arg9[%add3A_242, %get3A_3] : memref<224x128xf32, #tpu.memory_space<vmem>>[vector<16xi32>, vector<16xi32>], vector<16xf32>,
        %mul3A_244 = arith.constant 8 : i32
        %mul3A_245 = arith.muli %scan3A_198, %mul3A_244 : i32
        %add3A_246 = arith.constant 3 : i32
        %add3A_247 = arith.addi %mul3A_245, %add3A_246 : i32
        %mul3A_248 = arith.constant 16 : i32
        %mul3A_249 = arith.muli %add3A_247, %mul3A_248 : i32
        %swap3A_250 = arith.index_cast %mul3A_249 : i32 to index
        %swap3A_251 = tpu.vector_load %arg11[%swap3A_250] {strides = array<i32>} : memref<896xf32, #tpu.memory_space<vmem>>, vector<16xf32>,
        tpu.vector_store %arg11[%swap3A_250], %gather3A_243 {strides = array<i32>} : memref<896xf32, #tpu.memory_space<vmem>>, vector<16xf32>,
        %add3A_252 = arith.constant 4 : i32
        %add3A_253 = arith.addi %mul3A_201, %add3A_252 : i32
        %add3A_254 = vector.broadcast %add3A_253 : i32 to vector<16xi32>
        %add3A_255 = arith.addi %get3A_1, %add3A_254 : vector<16xi32>
        %gather3A_256 = tpu.vector_load_idx %arg9[%add3A_255, %get3A_3] : memref<224x128xf32, #tpu.memory_space<vmem>>[vector<16xi32>, vector<16xi32>], vector<16xf32>,
        %mul3A_257 = arith.constant 8 : i32
        %mul3A_258 = arith.muli %scan3A_198, %mul3A_257 : i32
        %add3A_259 = arith.constant 4 : i32
        %add3A_260 = arith.addi %mul3A_258, %add3A_259 : i32
        %mul3A_261 = arith.constant 16 : i32
        %mul3A_262 = arith.muli %add3A_260, %mul3A_261 : i32
        %swap3A_263 = arith.index_cast %mul3A_262 : i32 to index
        %swap3A_264 = tpu.vector_load %arg11[%swap3A_263] {strides = array<i32>} : memref<896xf32, #tpu.memory_space<vmem>>, vector<16xf32>,
        tpu.vector_store %arg11[%swap3A_263], %gather3A_256 {strides = array<i32>} : memref<896xf32, #tpu.memory_space<vmem>>, vector<16xf32>,
        %add3A_265 = arith.constant 5 : i32
        %add3A_266 = arith.addi %mul3A_201, %add3A_265 : i32
        %add3A_267 = vector.broadcast %add3A_266 : i32 to vector<16xi32>
        %add3A_268 = arith.addi %get3A_1, %add3A_267 : vector<16xi32>
        %gather3A_269 = tpu.vector_load_idx %arg9[%add3A_268, %get3A_3] : memref<224x128xf32, #tpu.memory_space<vmem>>[vector<16xi32>, vector<16xi32>], vector<16xf32>,
        %mul3A_270 = arith.constant 8 : i32
        %mul3A_271 = arith.muli %scan3A_198, %mul3A_270 : i32
        %add3A_272 = arith.constant 5 : i32
        %add3A_273 = arith.addi %mul3A_271, %add3A_272 : i32
        %mul3A_274 = arith.constant 16 : i32
        %mul3A_275 = arith.muli %add3A_273, %mul3A_274 : i32
        %swap3A_276 = arith.index_cast %mul3A_275 : i32 to index
        %swap3A_277 = tpu.vector_load %arg11[%swap3A_276] {strides = array<i32>} : memref<896xf32, #tpu.memory_space<vmem>>, vector<16xf32>,
        tpu.vector_store %arg11[%swap3A_276], %gather3A_269 {strides = array<i32>} : memref<896xf32, #tpu.memory_space<vmem>>, vector<16xf32>,
        %add3A_278 = arith.constant 6 : i32
        %add3A_279 = arith.addi %mul3A_201, %add3A_278 : i32
        %add3A_280 = vector.broadcast %add3A_279 : i32 to vector<16xi32>
        %add3A_281 = arith.addi %get3A_1, %add3A_280 : vector<16xi32>
        %gather3A_282 = tpu.vector_load_idx %arg9[%add3A_281, %get3A_3] : memref<224x128xf32, #tpu.memory_space<vmem>>[vector<16xi32>, vector<16xi32>], vector<16xf32>,
        %mul3A_283 = arith.constant 8 : i32
        %mul3A_284 = arith.muli %scan3A_198, %mul3A_283 : i32
        %add3A_285 = arith.constant 6 : i32
        %add3A_286 = arith.addi %mul3A_284, %add3A_285 : i32
        %mul3A_287 = arith.constant 16 : i32
        %mul3A_288 = arith.muli %add3A_286, %mul3A_287 : i32
        %swap3A_289 = arith.index_cast %mul3A_288 : i32 to index
        %swap3A_290 = tpu.vector_load %arg11[%swap3A_289] {strides = array<i32>} : memref<896xf32, #tpu.memory_space<vmem>>, vector<16xf32>,
        tpu.vector_store %arg11[%swap3A_289], %gather3A_282 {strides = array<i32>} : memref<896xf32, #tpu.memory_space<vmem>>, vector<16xf32>,
        %add3A_291 = arith.constant 7 : i32
        %add3A_292 = arith.addi %mul3A_201, %add3A_291 : i32
        %add3A_293 = vector.broadcast %add3A_292 : i32 to vector<16xi32>
        %add3A_294 = arith.addi %get3A_1, %add3A_293 : vector<16xi32>
        %gather3A_295 = tpu.vector_load_idx %arg9[%add3A_294, %get3A_3] : memref<224x128xf32, #tpu.memory_space<vmem>>[vector<16xi32>, vector<16xi32>], vector<16xf32>,
        %mul3A_296 = arith.constant 8 : i32
        %mul3A_297 = arith.muli %scan3A_198, %mul3A_296 : i32
        %add3A_298 = arith.constant 7 : i32
        %add3A_299 = arith.addi %mul3A_297, %add3A_298 : i32
        %mul3A_300 = arith.constant 16 : i32
        %mul3A_301 = arith.muli %add3A_299, %mul3A_300 : i32
        %swap3A_302 = arith.index_cast %mul3A_301 : i32 to index
        %swap3A_303 = tpu.vector_load %arg11[%swap3A_302] {strides = array<i32>} : memref<896xf32, #tpu.memory_space<vmem>>, vector<16xf32>,
        tpu.vector_store %arg11[%swap3A_302], %gather3A_295 {strides = array<i32>} : memref<896xf32, #tpu.memory_space<vmem>>, vector<16xf32>,
        %scan3A_304 = arith.constant 0 : i32
        scf.yield %scan3A_304 : i32
      }
      %scan3A_189 = arith.constant 7 : i32
      %mul3A_190 = arith.constant 56 : i32
      %mul3A_191 = arith.muli %add3A_161, %mul3A_190 : i32
      %mul3A_192 = arith.constant 16 : i32
      %mul3A_193 = arith.muli %mul3A_191, %mul3A_192 : i32
      %add3A_194 = arith.addi %mul3A_13, %mul3A_193 : i32
      %dma_start3A_195 = tpu.memref_slice %arg4[%add3A_194] : memref<2408448xf32, #tpu.memory_space<hbm>> -> memref<896xf32, #tpu.memory_space<hbm>>
      %dma_start3A_196 = tpu.memref_slice %arg4[%add3A_194] : memref<2408448xf32, #tpu.memory_space<hbm>> -> memref<896xf32, #tpu.memory_space<hbm>>
      tpu.enqueue_dma source(%arg11 : memref<896xf32, #tpu.memory_space<vmem>>) target(%dma_start3A_196 : memref<896xf32, #tpu.memory_space<hbm>>) target_semaphore(%arg17 : memref<!tpu.dma_semaphore, #tpu.memory_space<semaphore_mem>>)
      %scan3A_197 = arith.constant 0 : i32
      scf.yield %scan3A_197 : i32
    }
    %scan3A_36 = arith.constant 21 : i32
    %add3A_37 = arith.constant 73472 : i32
    %add3A_38 = arith.addi %mul3A_13, %add3A_37 : i32
    %dma_wait3A = tpu.memref_slice %arg4[%add3A_38] : memref<2408448xf32, #tpu.memory_space<hbm>> -> memref<896xf32, #tpu.memory_space<hbm>>
    %dma_wait3A_39 = tpu.memref_slice %arg4[%add3A_38] : memref<2408448xf32, #tpu.memory_space<hbm>> -> memref<896xf32, #tpu.memory_space<hbm>>
    tpu.wait_dma2 semaphore(%arg16 : memref<!tpu.dma_semaphore, #tpu.memory_space<semaphore_mem>>) src(%arg10 : memref<896xf32, #tpu.memory_space<vmem>>) dst(%dma_wait3A_39 : memref<896xf32, #tpu.memory_space<hbm>>)
    %add3A_40 = arith.constant 74368 : i32
    %add3A_41 = arith.addi %mul3A_13, %add3A_40 : i32
    %dma_wait3A_42 = tpu.memref_slice %arg4[%add3A_41] : memref<2408448xf32, #tpu.memory_space<hbm>> -> memref<896xf32, #tpu.memory_space<hbm>>
    %dma_wait3A_43 = tpu.memref_slice %arg4[%add3A_41] : memref<2408448xf32, #tpu.memory_space<hbm>> -> memref<896xf32, #tpu.memory_space<hbm>>
    tpu.wait_dma2 semaphore(%arg17 : memref<!tpu.dma_semaphore, #tpu.memory_space<semaphore_mem>>) src(%arg11 : memref<896xf32, #tpu.memory_space<vmem>>) dst(%dma_wait3A_43 : memref<896xf32, #tpu.memory_space<hbm>>)
    return
  }
}

</mosaic_0001>

<sc_bundles>
// kernel: kernel.3.cloned.1.call-start
scs
__scs_entry_jumppad:
0x0: {  	(pc) =	sbr.rel $0x88, $3  }
0x1: {  	(tag) =	ssettag $0x0;
	lr =	simm.s32 $0x1  }
0x2: {  	[smem:$0x3FA0] =	sst lr;
	_ =	strace $0xD0000000  }
0x3: {  	_ = 	snop  }
0x4: {  	_ = 	snop  }
0x5: {  	_ = 	snop  }
0x6: {  	_ = 	snop  }
0x7: {  	_ = 	snop  }
__scs_overlays_trampoline_lowered:
0x8: {  	[smem:$0x3FAF] =	sst s0  }
0x9: {  	[smem:$0x3FB0] =	sst s1  }
0xa: {  	[smem:$0x3FB1] =	sst s2  }
0xb: {  	[smem:$0x3FB2] =	sst s3  }
0xc: {  	[smem:$0x3FB3] =	sst s4  }
0xd: {  	[smem:$0x3FB4] =	sst s5  }
0xe: {  	[smem:$0x3FB5] =	sst s6  }
0xf: {  	[smem:$0x3FB6] =	sst s7  }
0x10: {  	[smem:$0x3FB7] =	sst s8  }
0x11: {  	[smem:$0x3FB8] =	sst s9;
	s0 =	simm.s32 @!p0 $0x0  }
0x12: {  	s1 =	sld [smem:$0x3F9E];
	s0 =	simm.s32 @p0 $0x1  }
0x13: {  	[smem:$0x3FB9] =	sst s0;
	s0 =	simm.s32 @!p1 $0x0  }
0x14: {  	s2 =	sld [smem:$0x3F9D];
	s0 =	simm.s32 @p1 $0x1  }
0x15: {  	[smem:$0x3FBA] =	sst s0;
	s0 =	simm.s32 @!p2 $0x0  }
0x16: {  	s3 =	sld [smem:$0x3FDB];
	s0 =	simm.s32 @p2 $0x1  }
0x17: {  	s4 =	simm.s32 $0x1BF5;
	[smem:$0x3FBC] =	sst s0  }
0x18: {  	s0 =	sld [smem:$0x3F9F];
	_ =	swait.ge [sflag:s4], $0x0  }
0x19: {  	s7 =	sld [smem:$0x3FA0]  }
0x1a: {  	s8 =	sadd.s32 $0xFFFFE003, lr  }
0x1b: {  	s9 =	sadd.s32 $0xFFFFFEF7, lr;
	s5 =	simm.s32 $0xFFFFFFFF;
	p2 =	slt.u32 s8, $0xFFFFF086  }
0x1c: {  	p1 =	slt.u32 s9, $0xF7A;
	s5 =	simm.s32 @!p2 $0x0  }
0x1d: {  	s5 =	simm.s32 @p1 $0x1;
	p0 =	seq.s32 s7, s2  }
0x1e: {  	s7 =	smul.u32 @!p0 $0xF7A, s2;
	p2 =	seq.s32 @!p0 s5, $0x0  }
0x1f: {  	s9 =	smul.u32 $0xF7A, s1;
	s8 =	simm.s32 @!p0 $0x1BF5;
	p2 =	por !p2, p0  }
0x20: {  	[sflag:s8] =	ssyncset.s32 @!p0 $0xFFFFF086;
	s6 =	sadd.s32 @!p0 s3, s7;
	s7 =	simm.s32 @!p0 $0x108  }
0x21: {  	s3 =	sadd.s32 s3, s9;
	s6 =	sadd.s32 @!p0 $0x88, s6;
	s7 =	simm.s32 @p2 $0x1082  }
0x22: {  	[simem:s7], [sflag:s8] =	dma.local @!p0 [hbm:s6], $0xF7A  }
0x23: {  	s9 =	sor.u32 $0xD0000000, s2;
	s6 =	simm.s32 $0x108;
	_ =	swait.ge @!p0 [sflag:s8], $0x0  }
0x24: {  	s3 =	sadd.s32 $0x88, s3;
	s6 =	simm.s32 @!p1 $0x1082;
	[sflag:s4] =	ssyncset.s32 $0xFFFFF086  }
0x25: {  	[simem:s6], [sflag:s4] =	dma.local [hbm:s3], $0xF7A  }
0x26: {  	[smem:$0x3FA0] =	sst s1;
	(tag) =	ssettag s2;
	_ =	strace s9  }
0x27: {  	s1 =	sld [smem:$0x3FB0]  }
0x28: {  	s2 =	sld [smem:$0x3FB1]  }
0x29: {  	s4 =	sld [smem:$0x3FB3]  }
0x2a: {  	p0 =	seq.s32 s5, $0x0;
	s5 =	sld [smem:$0x3FB4]  }
0x2b: {  	s6 =	sld [smem:$0x3FB5]  }
0x2c: {  	s7 =	sld [smem:$0x3FB6]  }
0x2d: {  	s3 =	simm.s32 $0x108;
	s8 =	sld [smem:$0x3FB7]  }
0x2e: {  	s3 =	simm.s32 @!p0 $0x1082;
	s9 =	sld [smem:$0x3FB8]  }
0x2f: {  	lr =	sadd.s32 s0, s3;
	s0 =	sld [smem:$0x3FAF]  }
0x30: {  	s3 =	sld [smem:$0x3FB2]  }
0x31: {  	[smem:$0x3FBB] =	sst s10  }
0x32: {  	s10 =	sld [smem:$0x3FB9];
	_ =	sdelay $0x3  }
0x33: {  	p0 =	seq.s32 s10, $0x1;
	s10 =	sld [smem:$0x3FBB];
	_ =	sdelay $0x3  }
0x34: {  	[smem:$0x3FBB] =	sst s10  }
0x35: {  	s10 =	sld [smem:$0x3FBA];
	_ =	sdelay $0x3  }
0x36: {  	p1 =	seq.s32 s10, $0x1;
	s10 =	sld [smem:$0x3FBB];
	_ =	sdelay $0x3  }
0x37: {  	[smem:$0x3FBB] =	sst s10  }
0x38: {  	s10 =	sld [smem:$0x3FBC]  }
0x39: {  	_ = 	snop;
	(pc) =	sbr.ind lr, $3  }
0x3a: {  	_ = 	snop  }
0x3b: {  	_ = 	snop  }
0x3c: {  	p2 =	seq.s32 s10, $0x1;
	s10 =	sld [smem:$0x3FBB]  }
0x3d: {  	_ =	shalt  }
0x3e: {  	_ =	shalt  }
0x3f: {  	_ =	shalt  }
0x40: {  	_ =	shalt  }
0x41: {  	_ =	shalt  }
0x42: {  	_ =	shalt  }
0x43: {  	_ =	shalt  }
0x44: {  	_ =	shalt  }
0x45: {  	_ =	shalt  }
0x46: {  	_ =	shalt  }
0x47: {  	_ =	shalt  }
0x48: {  	_ =	shalt  }
0x49: {  	_ =	shalt  }
0x4a: {  	_ =	shalt  }
0x4b: {  	_ =	shalt  }
0x4c: {  	_ =	shalt  }
0x4d: {  	_ =	shalt  }
0x4e: {  	_ =	shalt  }
0x4f: {  	_ =	shalt  }
0x50: {  	_ =	shalt  }
0x51: {  	_ =	shalt  }
0x52: {  	_ =	shalt  }
0x53: {  	_ =	shalt  }
0x54: {  	_ =	shalt  }
0x55: {  	_ =	shalt  }
0x56: {  	_ =	shalt  }
0x57: {  	_ =	shalt  }
0x58: {  	_ =	shalt  }
0x59: {  	_ =	shalt  }
0x5a: {  	_ =	shalt  }
0x5b: {  	_ =	shalt  }
0x5c: {  	_ =	shalt  }
0x5d: {  	_ =	shalt  }
0x5e: {  	_ =	shalt  }
0x5f: {  	_ =	shalt  }
0x60: {  	_ =	shalt  }
0x61: {  	_ =	shalt  }
0x62: {  	_ =	shalt  }
0x63: {  	_ =	shalt  }
0x64: {  	_ =	shalt  }
0x65: {  	_ =	shalt  }
0x66: {  	_ =	shalt  }
0x67: {  	_ =	shalt  }
0x68: {  	_ =	shalt  }
0x69: {  	_ =	shalt  }
0x6a: {  	_ =	shalt  }
0x6b: {  	_ =	shalt  }
0x6c: {  	_ =	shalt  }
0x6d: {  	_ =	shalt  }
0x6e: {  	_ =	shalt  }
0x6f: {  	_ =	shalt  }
0x70: {  	_ =	shalt  }
0x71: {  	_ =	shalt  }
0x72: {  	_ =	shalt  }
0x73: {  	_ =	shalt  }
0x74: {  	_ =	shalt  }
0x75: {  	_ =	shalt  }
0x76: {  	_ =	shalt  }
0x77: {  	_ =	shalt  }
0x78: {  	_ =	shalt  }
0x79: {  	_ =	shalt  }
0x7a: {  	_ =	shalt  }
0x7b: {  	_ =	shalt  }
0x7c: {  	_ =	shalt  }
0x7d: {  	_ =	shalt  }
0x7e: {  	_ =	shalt  }
0x7f: {  	_ =	shalt  }
0x80: {  	_ =	shalt  }
0x81: {  	_ =	shalt  }
0x82: {  	_ =	shalt  }
0x83: {  	_ =	shalt  }
0x84: {  	_ =	shalt  }
0x85: {  	_ =	shalt  }
0x86: {  	_ =	shalt  }
0x87: {  	_ =	shalt  }
.Lfunc_end0:
.L_simem_size_0:
called_computation_lowered:
.L_overlay_start_0:
0x88: {  	s2 =	sld [smem:$0x3FD9]  }
0x89: {  	s3 =	sld [smem:$0x3FFE];
	_ =	sdelay $0x1  }
0x8a: {  	s1 =	srdreg.scid  }
0x8b: {  	s0 =	sand.u32 $0x1, s1  }
0x8c: {  	s17 =	sshll.u32 s0, $0xA;
	s2 =	sadd.s32 s3, s2  }
0x8d: {  	s2 =	sadd.s32 s2, s17  }
0x8e: {  	[smem:$0x3FC7] =	sst s2  }
0x8f: {  	_ = 	snop  }
0x90: {  	s2 =	sld [smem:$0x3FC9]  }
0x91: {  	s18 =	sld [smem:$0x3FD0];
	(tm) =	ssettm $0x1  }
0x92: {  	s4 =	sld [smem:$0x3FFB];
	_ =	sdelay $0x3  }
0x93: {  	_ =	strace s4  }
0x94: {  	s4 =	sld [smem:$0x3FFC];
	_ =	sdelay $0x3  }
0x95: {  	_ =	strace s4  }
0x96: {  	s4 =	sld [smem:$0x3FFD];
	_ =	sdelay $0x3  }
0x97: {  	_ =	strace s4  }
0x98: {  	_ =	strace $0x8FFFFFFF  }
0x99: {  	s19 =	sld [smem:$0x3FDB];
	_ =	sdelay $0x1  }
0x9a: {  	s5 =	simm.s32 $_scs_section_size  }
0x9b: {  	s6 =	simm.s32 $_size__tile_overlayer_lowered;
	s7 =	simm.s32 $_tile_overlayer_lowered  }
0x9c: {  	s22 =	simm.s32 $0x1BFF;
	s21 =	sshll.u32 s7, $0x1;
	s4 =	sadd.s32 s5, s19  }
0x9d: {  	s8 =	simm.s32 $0x0;
	s20 =	sshll.u32 s6, $0x1;
	s6 =	sadd.s32 s21, s4  }
0x9e: {  	[timem:s8], [sflag:s22] =	dma.local [hbm:s6], s20  }
0x9f: {  	_ =	swait.ge [sflag:s22], s20  }
0xa0: {  	s5 =	ssub.s32 $0x0, s20;
	[sflag:s22] =	ssyncset.done $0x0  }
0xa1: {  	[sflag:s22] =	ssyncadd.s32 s5;
	_ =	sdelay $0x1  }
0xa2: {  	s23 =	simm.s32 $0x1B8B  }
0xa3: {  	_ =	swait.ge [sflag:s23], $0x1  }
0xa4: {  	[sflag:s23] =	ssyncset.done $0x0  }
0xa5: {  	s25 =	simm.s32 $0x1B8E;
	s24 =	sld [smem:$0x3FFE];
	[sflag:s23] =	ssyncadd.s32 $0xFFFFFFFF  }
0xa6: {  	s26 =	simm.s32 $execute0_lowered;
	[smem:$0x3FD2] =	sst s25  }
0xa7: {  	s6 =	sshll.u32 s26, $0x1;
	_ =	strace $0x80000046;
	[dreg:$0x1] =	wrdreg $0xFFFFFFFF  }
0xa8: {  	s28 =	simm.s32 $_size_execute0_lowered;
	s4 =	sadd.s32 s4, s6;
	[dreg:$0x0] =	wrdreg $0x0  }
0xa9: {  	s6 =	sshll.u32 s28, $0x1;
	[dreg:$0x2] =	wrdreg s4  }
0xaa: {  	[dreg:$0x3] =	wrdreg s6  }
0xab: {  	[dreg:$0x4] =	wrdreg $0xC0  }
0xac: {  	_ =	task [dreg:s8], $0x5FFFF  }
0xad: {  	[dreg:$0x1] =	wrdreg $0xFFFFFFFF  }
0xae: {  	[dreg:$0x0] =	wrdreg $0x60  }
0xaf: {  	[dreg:$0x2] =	wrdreg s2  }
0xb0: {  	[dreg:$0x3] =	wrdreg s24  }
0xb1: {  	[dreg:$0x4] =	wrdreg s18  }
0xb2: {  	[dreg:$0x5] =	wrdreg $0x9  }
0xb3: {  	_ =	task.clear_ibuf [dreg:s8], $0x6FFFF;
	_ =	strace $0x90000046  }
0xb4: {  	s29 =	simm.s32 $0x9;
	_ =	strace $0x80000048  }
0xb5: {  	_ =	swait.ge [sflag:s29], $0x1  }
0xb6: {  	[sflag:s29] =	ssyncadd.s32 $0xFFFFFFFF  }
0xb7: {  	_ =	strace $0x90000048  }
0xb8: {  	_ =	sfence  }
0xb9: {  	s30 =	sld [smem:$0x0];
	_ =	sdelay $0x2  }
0xba: {  	s31 =	sshll.u32 s1, $0xD;
	s1 =	sshrl.u32 s1, $0x2  }
0xbb: {  	s3 =	sand.u32 $0x4000, s31;
	s1 =	sadd.s32 s1, s30  }
0xbc: {  	s0 =	sor.u32 s3, s0;
	s1 =	sshll.u32 s1, $0x11  }
0xbd: {  	s0 =	sor.u32 s1, s0  }
0xbe: {  	s0 =	sadd.s32 $0x8F2B, s0  }
0xbf: {  	[sflag:s0] =	ssyncadd.remote.s32 $0x1  }
0xc0: {  	_ =	sfence.sel $0xFFFF  }
0xc1: {  	[dreg:$0x0] =	wrdreg $0xFFFFFFFF;
	(pc) =	sbr.abs _section_cstart, $3  }
0xc2: {  	[dreg:$0x1] =	wrdreg $0xFFFFFFFF  }
0xc3: {  	_ =	task.clear_ibuf [dreg:s8], $0x2FFFF;
	_ =	strace $0x9FFFFFFF  }
0xc4: {  	(tm) =	ssettm $0x7FFFFFFF  }
0xc5: {  	_ =	shalt  }
tec
execute0_lowered:
.L_overlay_start_1:
0x0: {  	(tag) =	ssettag $0x1  }
0x1: {  	s1 =	rddreg [dreg:$0x0]  }
0x2: {  	s0 =	rddreg [dreg:$0x1];
	s2 =	srdreg.scid  }
0x3: {  	s4 =	stileid.u32;
	s3 =	rddreg [dreg:$0x2];
	s18 =	simm.s32 $0x80  }
0x4: {  	s19 =	simm.s32 $0x7080;
	s20 =	simm.s32 $0xE080;
	s21 =	simm.s32 $0x15080  }
0x5: {  	s28 =	simm.s32 $0x3;
	s29 =	simm.s32 $0x5;
	s30 =	simm.s32 $0x4  }
0x6: {  	s31 =	simm.s32 $0x0;
	s2 =	sand.u32 $0x1, s2;
	s5 =	sshll.u32 s4, $0x1  }
0x7: {  	s4 =	simm.s32 $0x0;
	s0 =	sadd.s32 $0x600, s0;
	s5 =	sor.u32 s2, s5  }
0x8: {  	[smem:$0x7FF] =	sst s4;
	s22 =	ssub.s32 $0x2, s2;
	s7 =	smul.u32 $0x24C000, s5  }
0x9: {  	_ =	strace $0x80000047;
	s6 =	smul.u32 $0x4980, s5;
	s9 =	sshrl.u32 s22, $0x1  }
0xa: {  	[dreg:$0x4] =	wrdreg s0;
	s23 =	smul.u32 $0x49800, s5;
	s0 =	ssub.s32 s22, s9  }
0xb: {  	s22 =	simm.s32 $0x1;
	s8 =	sshrl.u32 s7, $0x3;
	s7 =	smul.u32 $0x12600, s5  }
0xc: {  	s2 =	sadd.s32 s1, s23;
	s11 =	sadd.s32 $0x380, s6;
	s13 =	sadd.s32 $0x460, s6  }
0xd: {  	s15 =	sadd.s32 $0x540, s6;
	s0 =	smax.u32 s0, $0x1;
	[dreg:$0x5] =	wrdreg s2  }
0xe: {  	s23 =	simm.s32 $0x1C080;
	s24 =	sadd.s32 s1, s8;
	[dreg:$0x8] =	wrdreg s0  }
0xf: {  	s25 =	sadd.s32 $0xE00, s24;
	s26 =	sadd.s32 $0x1C00, s24;
	s12 =	sadd.s32 $0x380, s7  }
0x10: {  	s14 =	sadd.s32 $0x700, s7;
	s24 =	simm.s32 $0x2;
	[dreg:$0x6] =	wrdreg s25  }
0x11: {  	[dreg:$0x7] =	wrdreg s26;
	s25 =	simm.s32 $0x6;
	s26 =	simm.s32 $0x1C400  }
.LBB2_1:
0x12: {  	s0 =	rddreg [dreg:$0x4];
	s9 =	simm.s32 $0x7  }
0x13: {  	[tilespmem:s4], [sflag:$0x7] =	stream.linear.gather [hbm4b:s0+s4], $0x80, $0x38;
	[tilespmem:$0x1C780] =	vst v63  }
0x14: {  	_ =	swait.ge [sflag:s9], $0x80  }
0x15: {  	[sflag:s9] =	ssyncset.done $0x0  }
0x16: {  	[sflag:s9] =	ssyncadd.s32 $0xFFFFFF80  }
0x17: {  	s10 =	rddreg [dreg:$0x5];
	v0 =	vld [tilespmem:$0x0]  }
0x18: {  	v1 =	vld [tilespmem:$0x10];
	[tilespmem:s18], [sflag:$0x1] =	stream.linear.gather [hbm4b:s10+s4], $0x7000, $0x38  }
0x19: {  	s16 =	rddreg [dreg:$0x6]  }
0x1a: {  	[tilespmem:s19], [sflag:$0x2] =	stream.linear.gather [hbm4b:s16+s4], $0x7000, $0x38;
	[tilespmem:$0x1C780] =	vst v63  }
0x1b: {  	s2 =	simm.s32 $0x0;
	s17 =	rddreg [dreg:$0x7]  }
0x1c: {  	[tilespmem:s20], [sflag:$0x3] =	stream.linear.gather [hbm4b:s17+s4], $0x7000, $0x38;
	[tilespmem:$0x1C780] =	vst v63  }
.LBB2_2:
0x1d: {  	s0 =	sshllo.u32 s2, $0x2  }
0x1e: {  	s5 =	smul.u32 $0xE0, s0;
	_ =	sdelay $0x1  }
0x1f: {  	s5 =	sadd.s32 s6, s5  }
0x20: {  	s5 =	sshll.u32 s5, $0x4  }
0x21: {  	s8 =	simm.s32 $0x0;
	s5 =	sadd.s32 s1, s5  }
0x22: {  	v2 =	vadd.s32 s8, v0;
	[tilespmem:s21], [sflag:$0x4] =	stream.linear.gather [hbm4b:s5+s4], $0x7000, $0x38;
	[tilespmem:$0x1C780] =	vst v63  }
0x23: {  	v2 =	vshll.u32 v2, $0x7;
	_ =	swait.ge [sflag:s22], $0x7000  }
0x24: {  	p0 =	seq.s32 s2, $0x0;
	v2 =	vadd.s32 v1, v2;
	[sflag:s22] =	ssyncset.done $0x0  }
0x25: {  	s5 =	simm.s32 @!p0 $0x5;
	[sflag:s22] =	ssyncadd.s32 $0xFFFF9000  }
0x26: {  	_ =	swait.ge @!p0 [sflag:s5], $0x380  }
0x27: {  	s10 =	simm.s32 $0x1;
	[sflag:s5] =	ssyncset.done @!p0 $0x0  }
0x28: {  	v3 =	vadd.s32 s10, v0;
	[sflag:s5] =	ssyncadd.s32 @!p0 $0xFFFFFC80  }
0x29: {  	v3 =	vshll.u32 v3, $0x7;
	v2 =	vld.idx.msk [tilespmem:v2+s18+$0x0], $0xffff  }
0x2a: {  	v3 =	vadd.s32 v1, v3;
	_ =	sdelay $0x2  }
0x2b: {  	s16 =	simm.s32 $0x2;
	s5 =	simm.s32 $0x1C0C0  }
0x2c: {  	[tilespmem:s5+$0xFFFFFFC0] =	vst v2;
	v2 =	vadd.s32 s16, v0  }
0x2d: {  	v3 =	vld.idx.msk [tilespmem:v3+s18+$0x0], $0xffff;
	v2 =	vshll.u32 v2, $0x7  }
0x2e: {  	v2 =	vadd.s32 v1, v2;
	_ =	sdelay $0x2  }
0x2f: {  	s17 =	simm.s32 $0x3  }
0x30: {  	[tilespmem:s5+$0xFFFFFFD0] =	vst v3;
	v3 =	vadd.s32 s17, v0  }
0x31: {  	v2 =	vld.idx.msk [tilespmem:v2+s18+$0x0], $0xffff;
	v3 =	vshll.u32 v3, $0x7  }
0x32: {  	v3 =	vadd.s32 v1, v3;
	_ =	sdelay $0x2  }
0x33: {  	s9 =	simm.s32 $0x4  }
0x34: {  	[tilespmem:s5+$0xFFFFFFE0] =	vst v2;
	v2 =	vadd.s32 s9, v0  }
0x35: {  	v3 =	vld.idx.msk [tilespmem:v3+s18+$0x0], $0xffff;
	v2 =	vshll.u32 v2, $0x7  }
0x36: {  	v2 =	vadd.s32 v1, v2;
	_ =	sdelay $0x2  }
0x37: {  	s10 =	simm.s32 $0x5  }
0x38: {  	[tilespmem:s5+$0xFFFFFFF0] =	vst v3;
	v3 =	vadd.s32 s10, v0  }
0x39: {  	v2 =	vld.idx.msk [tilespmem:v2+s18+$0x0], $0xffff;
	v3 =	vshll.u32 v3, $0x7  }
0x3a: {  	v3 =	vadd.s32 v1, v3;
	_ =	sdelay $0x2  }
0x3b: {  	s16 =	simm.s32 $0x6  }
0x3c: {  	[tilespmem:s5+$0x0] =	vst v2;
	v2 =	vadd.s32 s16, v0  }
0x3d: {  	v3 =	vld.idx.msk [tilespmem:v3+s18+$0x0], $0xffff;
	v2 =	vshll.u32 v2, $0x7  }
0x3e: {  	v2 =	vadd.s32 v1, v2;
	_ =	sdelay $0x3  }
0x3f: {  	s17 =	simm.s32 $0x7;
	[tilespmem:s5+$0x10] =	vst v3  }
0x40: {  	v3 =	vld.idx.msk [tilespmem:v2+s18+$0x0], $0xffff;
	v2 =	vadd.s32 s17, v0  }
0x41: {  	v2 =	vshll.u32 v2, $0x7  }
0x42: {  	v2 =	vadd.s32 v1, v2;
	_ =	sdelay $0x3  }
0x43: {  	s8 =	simm.s32 $0x27;
	s9 =	simm.s32 $0x47;
	s10 =	simm.s32 $0x20;
	[tilespmem:s5+$0x20] =	vst v3  }
.LBB2_3:
0x44: {  	p1 =	sne.s32 s9, $0xC7;
	v3 =	vadd.s32 s10, v0;
	v2 =	vld.idx.msk [tilespmem:v2+s18+$0x0], $0xffff  }
0x45: {  	v3 =	vshll.u32 v3, $0x7  }
0x46: {  	v3 =	vadd.s32 v1, v3;
	_ =	sdelay $0x3  }
0x47: {  	s10 =	sadd.s32 $0xFFFFFFFA, s8;
	[tilespmem:s5+$0x30] =	vst v2  }
0x48: {  	v2 =	vld.idx.msk [tilespmem:v3+s18+$0x0], $0xffff;
	v3 =	vadd.s32 s10, v0  }
0x49: {  	v3 =	vshll.u32 v3, $0x7  }
0x4a: {  	v3 =	vadd.s32 v1, v3;
	_ =	sdelay $0x2  }
0x4b: {  	s5 =	sadd.s32 $0x80, s5  }
0x4c: {  	s10 =	sadd.s32 $0xFFFFFFFB, s8;
	[tilespmem:s5+$0xFFFFFFC0] =	vst v2  }
0x4d: {  	v2 =	vld.idx.msk [tilespmem:v3+s18+$0x0], $0xffff;
	v3 =	vadd.s32 s10, v0  }
0x4e: {  	v3 =	vshll.u32 v3, $0x7  }
0x4f: {  	v3 =	vadd.s32 v1, v3;
	_ =	sdelay $0x3  }
0x50: {  	s10 =	sadd.s32 $0xFFFFFFFC, s8;
	[tilespmem:s5+$0xFFFFFFD0] =	vst v2  }
0x51: {  	v2 =	vld.idx.msk [tilespmem:v3+s18+$0x0], $0xffff;
	v3 =	vadd.s32 s10, v0  }
0x52: {  	v3 =	vshll.u32 v3, $0x7  }
0x53: {  	v3 =	vadd.s32 v1, v3;
	_ =	sdelay $0x3  }
0x54: {  	s10 =	sadd.s32 $0xFFFFFFFD, s8;
	[tilespmem:s5+$0xFFFFFFE0] =	vst v2  }
0x55: {  	v2 =	vld.idx.msk [tilespmem:v3+s18+$0x0], $0xffff;
	v3 =	vadd.s32 s10, v0  }
0x56: {  	v3 =	vshll.u32 v3, $0x7  }
0x57: {  	v3 =	vadd.s32 v1, v3;
	_ =	sdelay $0x3  }
0x58: {  	s10 =	sadd.s32 $0xFFFFFFFE, s8;
	[tilespmem:s5+$0xFFFFFFF0] =	vst v2  }
0x59: {  	v2 =	vld.idx.msk [tilespmem:v3+s18+$0x0], $0xffff;
	v3 =	vadd.s32 s10, v0  }
0x5a: {  	v3 =	vshll.u32 v3, $0x7  }
0x5b: {  	v3 =	vadd.s32 v1, v3;
	_ =	sdelay $0x3  }
0x5c: {  	s10 =	sadd.s32 $0xFFFFFFFF, s8;
	[tilespmem:s5+$0x0] =	vst v2  }
0x5d: {  	v2 =	vld.idx.msk [tilespmem:v3+s18+$0x0], $0xffff;
	v3 =	vadd.s32 s10, v0  }
0x5e: {  	v3 =	vshll.u32 v3, $0x7  }
0x5f: {  	v3 =	vadd.s32 v1, v3;
	_ =	sdelay $0x3  }
0x60: {  	[tilespmem:s5+$0x10] =	vst v2  }
0x61: {  	v2 =	vadd.s32 s8, v0;
	s8 =	smov.u32 s9;
	v3 =	vld.idx.msk [tilespmem:v3+s18+$0x0], $0xffff  }
0x62: {  	v2 =	vshll.u32 v2, $0x7  }
.Ltmp0:
0x63: {  	v2 =	vadd.s32 v1, v2;
	(pc) =	sbr.rel @p1 .LBB2_3-.Ltmp0, $2  }
0x64: {  	_ =	sdelay $0x2  }
0x65: {  	s9 =	sadd.s32 $0x20, s9;
	s10 =	sadd.s32 $0xFFFFFFF9, s8;
	[tilespmem:s5+$0x20] =	vst v3  }
0x66: {  	_ =	sdelay $0x2  }
0x67: {  	v3 =	vadd.s32 s10, v0  }
0x68: {  	v2 =	vld.idx.msk [tilespmem:v2+s18+$0x0], $0xffff;
	v3 =	vshll.u32 v3, $0x7  }
0x69: {  	v3 =	vadd.s32 v1, v3;
	_ =	sdelay $0x2  }
0x6a: {  	s9 =	sadd.s32 $0xFFFFFFFA, s8  }
0x6b: {  	[tilespmem:s5+$0x30] =	vst v2;
	v2 =	vadd.s32 s9, v0  }
0x6c: {  	v2 =	vshll.u32 v2, $0x7;
	v3 =	vld.idx.msk [tilespmem:v3+s18+$0x0], $0xffff  }
0x6d: {  	v2 =	vadd.s32 v1, v2;
	_ =	sdelay $0x2  }
0x6e: {  	s10 =	sadd.s32 $0xFFFFFFFB, s8;
	s9 =	sadd.s32 $0x80, s5  }
0x6f: {  	[tilespmem:s9+$0xFFFFFFC0] =	vst v3;
	v3 =	vadd.s32 s10, v0  }
0x70: {  	v2 =	vld.idx.msk [tilespmem:v2+s18+$0x0], $0xffff;
	v3 =	vshll.u32 v3, $0x7  }
0x71: {  	v3 =	vadd.s32 v1, v3;
	_ =	sdelay $0x2  }
0x72: {  	s16 =	sadd.s32 $0xFFFFFFFC, s8  }
0x73: {  	[tilespmem:s9+$0xFFFFFFD0] =	vst v2;
	v2 =	vadd.s32 s16, v0  }
0x74: {  	v3 =	vld.idx.msk [tilespmem:v3+s18+$0x0], $0xffff;
	v2 =	vshll.u32 v2, $0x7  }
0x75: {  	v2 =	vadd.s32 v1, v2;
	_ =	sdelay $0x2  }
0x76: {  	s17 =	sadd.s32 $0xFFFFFFFD, s8  }
0x77: {  	[tilespmem:s9+$0xFFFFFFE0] =	vst v3;
	v3 =	vadd.s32 s17, v0  }
0x78: {  	v2 =	vld.idx.msk [tilespmem:v2+s18+$0x0], $0xffff;
	v3 =	vshll.u32 v3, $0x7  }
0x79: {  	v3 =	vadd.s32 v1, v3;
	_ =	sdelay $0x2  }
0x7a: {  	s10 =	sadd.s32 $0xFFFFFFFE, s8  }
0x7b: {  	[tilespmem:s9+$0xFFFFFFF0] =	vst v2;
	v2 =	vadd.s32 s10, v0  }
0x7c: {  	v3 =	vld.idx.msk [tilespmem:v3+s18+$0x0], $0xffff;
	v2 =	vshll.u32 v2, $0x7  }
0x7d: {  	v2 =	vadd.s32 v1, v2;
	_ =	sdelay $0x2  }
0x7e: {  	s16 =	sadd.s32 $0xFFFFFFFF, s8  }
0x7f: {  	[tilespmem:s9+$0x0] =	vst v3;
	v3 =	vadd.s32 s16, v0  }
0x80: {  	v2 =	vld.idx.msk [tilespmem:v2+s18+$0x0], $0xffff;
	v3 =	vshll.u32 v3, $0x7  }
0x81: {  	v3 =	vadd.s32 v1, v3;
	_ =	sdelay $0x3  }
0x82: {  	[tilespmem:s9+$0x10] =	vst v2;
	v2 =	vadd.s32 s8, v0  }
0x83: {  	v3 =	vld.idx.msk [tilespmem:v3+s18+$0x0], $0xffff;
	v2 =	vshll.u32 v2, $0x7  }
0x84: {  	v2 =	vadd.s32 v1, v2;
	_ =	sdelay $0x3  }
0x85: {  	[tilespmem:s9+$0x20] =	vst v3  }
0x86: {  	v2 =	vld.idx.msk [tilespmem:v2+s18+$0x0], $0xffff  }
0x87: {  	p1 =	sne.s32 s2, $0x14;
	s5 =	smul.u32 $0xE00, s2  }
.Ltmp1:
0x88: {  	_ = 	snop;
	(pc) =	sbr.rel @p1 .LBB2_6-.Ltmp1, $4  }
0x89: {  	s17 =	sadd.s32 s7, s5  }
0x8a: {  	s8 =	sshrl.u32 s17, $0x3  }
0x8b: {  	s8 =	sadd.s32 s3, s8;
	[tilespmem:s9+$0x30] =	vst v2  }
0x8c: {  	[hbm4b:s8+s4] =	stream.linear.scatter [tilespmem:s23], [sflag:$0x5], $0x380, $0x38;
	[tilespmem:$0x1C780] =	vst v63  }
.Ltmp2:
0x8d: {  	(pc) =	sbr.rel .LBB2_7-.Ltmp2, $4  }
0x8e: {  	_ = 	snop  }
0x8f: {  	_ =	swait.ge [sflag:s24], $0x7000  }
0x90: {  	[sflag:s24] =	ssyncset.done $0x0  }
0x91: {  	[sflag:s24] =	ssyncadd.s32 $0xFFFF9000  }
.LBB2_6:
0x92: {  	s8 =	smul.u32 $0x380, s2;
	_ =	sdelay $0x1  }
0x93: {  	s8 =	sadd.s32 s8, s11  }
0x94: {  	s8 =	sshll.u32 s8, $0x4  }
.Ltmp3:
0x95: {  	s8 =	sadd.s32 s1, s8;
	(pc) =	sbr.rel @p0 .LBB2_8-.Ltmp3, $4  }
0x96: {  	[tilespmem:s18], [sflag:$0x1] =	stream.linear.gather [hbm4b:s8+s4], $0x7000, $0x38;
	[tilespmem:$0x1C780] =	vst v63  }
0x97: {  	_ =	swait.ge [sflag:s24], $0x7000  }
0x98: {  	[sflag:s24] =	ssyncset.done $0x0  }
0x99: {  	[sflag:s24] =	ssyncadd.s32 $0xFFFF9000  }
.LBB2_7:
0x9a: {  	_ =	swait.ge [sflag:s25], $0x380  }
0x9b: {  	[sflag:s25] =	ssyncset.done $0x0  }
0x9c: {  	[sflag:s25] =	ssyncadd.s32 $0xFFFFFC80  }
.LBB2_8:
0x9d: {  	s8 =	simm.s32 $0x0  }
0x9e: {  	v2 =	vadd.s32 s8, v0  }
0x9f: {  	v2 =	vshll.u32 v2, $0x7  }
0xa0: {  	v2 =	vadd.s32 v1, v2;
	_ =	sdelay $0x2  }
0xa1: {  	s10 =	simm.s32 $0x1  }
0xa2: {  	v3 =	vadd.s32 s10, v0  }
0xa3: {  	v3 =	vshll.u32 v3, $0x7;
	v2 =	vld.idx.msk [tilespmem:v2+s19+$0x0], $0xffff  }
0xa4: {  	v3 =	vadd.s32 v1, v3;
	_ =	sdelay $0x2  }
0xa5: {  	s9 =	simm.s32 $0x2;
	s8 =	simm.s32 $0x1C440  }
0xa6: {  	[tilespmem:s8+$0xFFFFFFC0] =	vst v2;
	v2 =	vadd.s32 s9, v0  }
0xa7: {  	v3 =	vld.idx.msk [tilespmem:v3+s19+$0x0], $0xffff;
	v2 =	vshll.u32 v2, $0x7  }
0xa8: {  	v2 =	vadd.s32 v1, v2;
	_ =	sdelay $0x2  }
0xa9: {  	s16 =	simm.s32 $0x3  }
0xaa: {  	[tilespmem:s8+$0xFFFFFFD0] =	vst v3;
	v3 =	vadd.s32 s16, v0  }
0xab: {  	v2 =	vld.idx.msk [tilespmem:v2+s19+$0x0], $0xffff;
	v3 =	vshll.u32 v3, $0x7  }
0xac: {  	v3 =	vadd.s32 v1, v3;
	_ =	sdelay $0x2  }
0xad: {  	s17 =	simm.s32 $0x4  }
0xae: {  	[tilespmem:s8+$0xFFFFFFE0] =	vst v2;
	v2 =	vadd.s32 s17, v0  }
0xaf: {  	v3 =	vld.idx.msk [tilespmem:v3+s19+$0x0], $0xffff;
	v2 =	vshll.u32 v2, $0x7  }
0xb0: {  	v2 =	vadd.s32 v1, v2;
	_ =	sdelay $0x2  }
0xb1: {  	s10 =	simm.s32 $0x5  }
0xb2: {  	[tilespmem:s8+$0xFFFFFFF0] =	vst v3;
	v3 =	vadd.s32 s10, v0  }
0xb3: {  	v2 =	vld.idx.msk [tilespmem:v2+s19+$0x0], $0xffff;
	v3 =	vshll.u32 v3, $0x7  }
0xb4: {  	v3 =	vadd.s32 v1, v3;
	_ =	sdelay $0x2  }
0xb5: {  	s16 =	simm.s32 $0x6  }
0xb6: {  	[tilespmem:s8+$0x0] =	vst v2;
	v2 =	vadd.s32 s16, v0  }
0xb7: {  	v3 =	vld.idx.msk [tilespmem:v3+s19+$0x0], $0xffff;
	v2 =	vshll.u32 v2, $0x7  }
0xb8: {  	v2 =	vadd.s32 v1, v2;
	_ =	sdelay $0x3  }
0xb9: {  	s17 =	simm.s32 $0x7;
	[tilespmem:s8+$0x10] =	vst v3  }
0xba: {  	v3 =	vld.idx.msk [tilespmem:v2+s19+$0x0], $0xffff;
	v2 =	vadd.s32 s17, v0  }
0xbb: {  	v2 =	vshll.u32 v2, $0x7  }
0xbc: {  	v2 =	vadd.s32 v1, v2;
	_ =	sdelay $0x3  }
0xbd: {  	s9 =	simm.s32 $0x27;
	s10 =	simm.s32 $0x47;
	s16 =	simm.s32 $0x20;
	[tilespmem:s8+$0x20] =	vst v3  }
.LBB2_9:
0xbe: {  	p0 =	sne.s32 s10, $0xC7;
	v3 =	vadd.s32 s16, v0;
	v2 =	vld.idx.msk [tilespmem:v2+s19+$0x0], $0xffff  }
0xbf: {  	v3 =	vshll.u32 v3, $0x7  }
0xc0: {  	v3 =	vadd.s32 v1, v3;
	_ =	sdelay $0x3  }
0xc1: {  	s16 =	sadd.s32 $0xFFFFFFFA, s9;
	[tilespmem:s8+$0x30] =	vst v2  }
0xc2: {  	v2 =	vld.idx.msk [tilespmem:v3+s19+$0x0], $0xffff;
	v3 =	vadd.s32 s16, v0  }
0xc3: {  	v3 =	vshll.u32 v3, $0x7  }
0xc4: {  	v3 =	vadd.s32 v1, v3;
	_ =	sdelay $0x2  }
0xc5: {  	s8 =	sadd.s32 $0x80, s8  }
0xc6: {  	s16 =	sadd.s32 $0xFFFFFFFB, s9;
	[tilespmem:s8+$0xFFFFFFC0] =	vst v2  }
0xc7: {  	v2 =	vld.idx.msk [tilespmem:v3+s19+$0x0], $0xffff;
	v3 =	vadd.s32 s16, v0  }
0xc8: {  	v3 =	vshll.u32 v3, $0x7  }
0xc9: {  	v3 =	vadd.s32 v1, v3;
	_ =	sdelay $0x3  }
0xca: {  	s16 =	sadd.s32 $0xFFFFFFFC, s9;
	[tilespmem:s8+$0xFFFFFFD0] =	vst v2  }
0xcb: {  	v2 =	vld.idx.msk [tilespmem:v3+s19+$0x0], $0xffff;
	v3 =	vadd.s32 s16, v0  }
0xcc: {  	v3 =	vshll.u32 v3, $0x7  }
0xcd: {  	v3 =	vadd.s32 v1, v3;
	_ =	sdelay $0x3  }
0xce: {  	s16 =	sadd.s32 $0xFFFFFFFD, s9;
	[tilespmem:s8+$0xFFFFFFE0] =	vst v2  }
0xcf: {  	v2 =	vld.idx.msk [tilespmem:v3+s19+$0x0], $0xffff;
	v3 =	vadd.s32 s16, v0  }
0xd0: {  	v3 =	vshll.u32 v3, $0x7  }
0xd1: {  	v3 =	vadd.s32 v1, v3;
	_ =	sdelay $0x3  }
0xd2: {  	s16 =	sadd.s32 $0xFFFFFFFE, s9;
	[tilespmem:s8+$0xFFFFFFF0] =	vst v2  }
0xd3: {  	v2 =	vld.idx.msk [tilespmem:v3+s19+$0x0], $0xffff;
	v3 =	vadd.s32 s16, v0  }
0xd4: {  	v3 =	vshll.u32 v3, $0x7  }
0xd5: {  	v3 =	vadd.s32 v1, v3;
	_ =	sdelay $0x3  }
0xd6: {  	s16 =	sadd.s32 $0xFFFFFFFF, s9;
	[tilespmem:s8+$0x0] =	vst v2  }
0xd7: {  	v2 =	vld.idx.msk [tilespmem:v3+s19+$0x0], $0xffff;
	v3 =	vadd.s32 s16, v0  }
0xd8: {  	v3 =	vshll.u32 v3, $0x7  }
0xd9: {  	v3 =	vadd.s32 v1, v3;
	_ =	sdelay $0x3  }
0xda: {  	[tilespmem:s8+$0x10] =	vst v2  }
0xdb: {  	v2 =	vadd.s32 s9, v0;
	s9 =	smov.u32 s10;
	v3 =	vld.idx.msk [tilespmem:v3+s19+$0x0], $0xffff  }
0xdc: {  	v2 =	vshll.u32 v2, $0x7  }
.Ltmp4:
0xdd: {  	v2 =	vadd.s32 v1, v2;
	(pc) =	sbr.rel @p0 .LBB2_9-.Ltmp4, $2  }
0xde: {  	_ =	sdelay $0x2  }
0xdf: {  	s10 =	sadd.s32 $0x20, s10;
	s16 =	sadd.s32 $0xFFFFFFF9, s9;
	[tilespmem:s8+$0x20] =	vst v3  }
0xe0: {  	_ =	sdelay $0x2  }
0xe1: {  	v3 =	vadd.s32 s16, v0  }
0xe2: {  	v2 =	vld.idx.msk [tilespmem:v2+s19+$0x0], $0xffff;
	v3 =	vshll.u32 v3, $0x7  }
0xe3: {  	v3 =	vadd.s32 v1, v3;
	_ =	sdelay $0x2  }
0xe4: {  	s10 =	sadd.s32 $0xFFFFFFFA, s9  }
0xe5: {  	[tilespmem:s8+$0x30] =	vst v2;
	v2 =	vadd.s32 s10, v0  }
0xe6: {  	v2 =	vshll.u32 v2, $0x7;
	v3 =	vld.idx.msk [tilespmem:v3+s19+$0x0], $0xffff  }
0xe7: {  	v2 =	vadd.s32 v1, v2;
	_ =	sdelay $0x2  }
0xe8: {  	s16 =	sadd.s32 $0xFFFFFFFB, s9;
	s8 =	sadd.s32 $0x80, s8  }
0xe9: {  	[tilespmem:s8+$0xFFFFFFC0] =	vst v3;
	v3 =	vadd.s32 s16, v0  }
0xea: {  	v2 =	vld.idx.msk [tilespmem:v2+s19+$0x0], $0xffff;
	v3 =	vshll.u32 v3, $0x7  }
0xeb: {  	v3 =	vadd.s32 v1, v3;
	_ =	sdelay $0x2  }
0xec: {  	s17 =	sadd.s32 $0xFFFFFFFC, s9  }
0xed: {  	[tilespmem:s8+$0xFFFFFFD0] =	vst v2;
	v2 =	vadd.s32 s17, v0  }
0xee: {  	v3 =	vld.idx.msk [tilespmem:v3+s19+$0x0], $0xffff;
	v2 =	vshll.u32 v2, $0x7  }
0xef: {  	v2 =	vadd.s32 v1, v2;
	_ =	sdelay $0x2  }
0xf0: {  	s16 =	sadd.s32 $0xFFFFFFFD, s9  }
0xf1: {  	[tilespmem:s8+$0xFFFFFFE0] =	vst v3;
	v3 =	vadd.s32 s16, v0  }
0xf2: {  	v2 =	vld.idx.msk [tilespmem:v2+s19+$0x0], $0xffff;
	v3 =	vshll.u32 v3, $0x7  }
0xf3: {  	v3 =	vadd.s32 v1, v3;
	_ =	sdelay $0x2  }
0xf4: {  	s17 =	sadd.s32 $0xFFFFFFFE, s9  }
0xf5: {  	[tilespmem:s8+$0xFFFFFFF0] =	vst v2;
	v2 =	vadd.s32 s17, v0  }
0xf6: {  	v3 =	vld.idx.msk [tilespmem:v3+s19+$0x0], $0xffff;
	v2 =	vshll.u32 v2, $0x7  }
0xf7: {  	v2 =	vadd.s32 v1, v2;
	_ =	sdelay $0x2  }
0xf8: {  	s16 =	sadd.s32 $0xFFFFFFFF, s9  }
0xf9: {  	[tilespmem:s8+$0x0] =	vst v3;
	v3 =	vadd.s32 s16, v0  }
0xfa: {  	v2 =	vld.idx.msk [tilespmem:v2+s19+$0x0], $0xffff;
	v3 =	vshll.u32 v3, $0x7  }
0xfb: {  	v3 =	vadd.s32 v1, v3;
	_ =	sdelay $0x3  }
0xfc: {  	[tilespmem:s8+$0x10] =	vst v2;
	v2 =	vadd.s32 s9, v0  }
0xfd: {  	v3 =	vld.idx.msk [tilespmem:v3+s19+$0x0], $0xffff;
	v2 =	vshll.u32 v2, $0x7  }
0xfe: {  	v2 =	vadd.s32 v1, v2;
	_ =	sdelay $0x3  }
0xff: {  	[tilespmem:s8+$0x20] =	vst v3  }
0x100: {  	v2 =	vld.idx.msk [tilespmem:v2+s19+$0x0], $0xffff;
	_ =	sdelay $0x2  }
0x101: {  	s17 =	sadd.s32 s5, s12  }
0x102: {  	p0 =	seq.s32 s2, $0x14;
	s9 =	sshrl.u32 s17, $0x3  }
0x103: {  	s9 =	sadd.s32 s3, s9;
	[tilespmem:s8+$0x30] =	vst v2;
	s8 =	smul.u32 @!p0 $0x380, s2  }
0x104: {  	[hbm4b:s9+s4] =	stream.linear.scatter [tilespmem:s26], [sflag:$0x6], $0x380, $0x38;
	[tilespmem:$0x1C780] =	vst v63  }
0x105: {  	s9 =	sadd.s32 @!p0 s8, s13  }
0x106: {  	s10 =	simm.s32 @!p0 $0x0;
	s9 =	sshll.u32 @!p0 s9, $0x4  }
0x107: {  	s16 =	simm.s32 @!p0 $0x7080;
	s17 =	simm.s32 $0x0;
	s9 =	sadd.s32 @!p0 s1, s9  }
0x108: {  	v2 =	vadd.s32 s17, v0;
	[tilespmem:s16], [sflag:$0x2] =	stream.linear.gather @!p0 [hbm4b:s9+s10], $0x7000, $0x38;
	[tilespmem:$0x1C780] =	vst v63  }
0x109: {  	v2 =	vshll.u32 v2, $0x7;
	_ =	swait.ge [sflag:s28], $0x7000  }
0x10a: {  	v2 =	vadd.s32 v1, v2;
	[sflag:s28] =	ssyncset.done $0x0  }
0x10b: {  	[sflag:s28] =	ssyncadd.s32 $0xFFFF9000  }
0x10c: {  	_ =	swait.ge [sflag:s29], $0x380  }
0x10d: {  	s10 =	simm.s32 $0x1;
	[sflag:s29] =	ssyncset.done $0x0  }
0x10e: {  	v3 =	vadd.s32 s10, v0;
	[sflag:s29] =	ssyncadd.s32 $0xFFFFFC80  }
0x10f: {  	v3 =	vshll.u32 v3, $0x7;
	v2 =	vld.idx.msk [tilespmem:v2+s20+$0x0], $0xffff  }
0x110: {  	v3 =	vadd.s32 v1, v3;
	_ =	sdelay $0x2  }
0x111: {  	s9 =	simm.s32 $0x1C0C0;
	s16 =	simm.s32 $0x2  }
0x112: {  	[tilespmem:s9+$0xFFFFFFC0] =	vst v2;
	v2 =	vadd.s32 s16, v0  }
0x113: {  	v3 =	vld.idx.msk [tilespmem:v3+s20+$0x0], $0xffff;
	v2 =	vshll.u32 v2, $0x7  }
0x114: {  	v2 =	vadd.s32 v1, v2;
	_ =	sdelay $0x2  }
0x115: {  	s17 =	simm.s32 $0x3  }
0x116: {  	[tilespmem:s9+$0xFFFFFFD0] =	vst v3;
	v3 =	vadd.s32 s17, v0  }
0x117: {  	v2 =	vld.idx.msk [tilespmem:v2+s20+$0x0], $0xffff;
	v3 =	vshll.u32 v3, $0x7  }
0x118: {  	v3 =	vadd.s32 v1, v3;
	_ =	sdelay $0x2  }
0x119: {  	s16 =	simm.s32 $0x4  }
0x11a: {  	[tilespmem:s9+$0xFFFFFFE0] =	vst v2;
	v2 =	vadd.s32 s16, v0  }
0x11b: {  	v3 =	vld.idx.msk [tilespmem:v3+s20+$0x0], $0xffff;
	v2 =	vshll.u32 v2, $0x7  }
0x11c: {  	v2 =	vadd.s32 v1, v2;
	_ =	sdelay $0x2  }
0x11d: {  	s17 =	simm.s32 $0x5  }
0x11e: {  	[tilespmem:s9+$0xFFFFFFF0] =	vst v3;
	v3 =	vadd.s32 s17, v0  }
0x11f: {  	v2 =	vld.idx.msk [tilespmem:v2+s20+$0x0], $0xffff;
	v3 =	vshll.u32 v3, $0x7  }
0x120: {  	v3 =	vadd.s32 v1, v3;
	_ =	sdelay $0x2  }
0x121: {  	s16 =	simm.s32 $0x6  }
0x122: {  	[tilespmem:s9+$0x0] =	vst v2;
	v2 =	vadd.s32 s16, v0  }
0x123: {  	v3 =	vld.idx.msk [tilespmem:v3+s20+$0x0], $0xffff;
	v2 =	vshll.u32 v2, $0x7  }
0x124: {  	v2 =	vadd.s32 v1, v2;
	_ =	sdelay $0x3  }
0x125: {  	s17 =	simm.s32 $0x7;
	[tilespmem:s9+$0x10] =	vst v3  }
0x126: {  	v3 =	vld.idx.msk [tilespmem:v2+s20+$0x0], $0xffff;
	v2 =	vadd.s32 s17, v0  }
0x127: {  	v2 =	vshll.u32 v2, $0x7  }
0x128: {  	v2 =	vadd.s32 v1, v2;
	_ =	sdelay $0x3  }
0x129: {  	s10 =	simm.s32 $0x27;
	s16 =	simm.s32 $0x47;
	s17 =	simm.s32 $0x20;
	[tilespmem:s9+$0x20] =	vst v3  }
.LBB2_11:
0x12a: {  	p1 =	sne.s32 s16, $0xC7;
	v3 =	vadd.s32 s17, v0;
	v2 =	vld.idx.msk [tilespmem:v2+s20+$0x0], $0xffff  }
0x12b: {  	v3 =	vshll.u32 v3, $0x7  }
0x12c: {  	v3 =	vadd.s32 v1, v3;
	_ =	sdelay $0x3  }
0x12d: {  	s17 =	sadd.s32 $0xFFFFFFFA, s10;
	[tilespmem:s9+$0x30] =	vst v2  }
0x12e: {  	v2 =	vld.idx.msk [tilespmem:v3+s20+$0x0], $0xffff;
	v3 =	vadd.s32 s17, v0  }
0x12f: {  	v3 =	vshll.u32 v3, $0x7  }
0x130: {  	v3 =	vadd.s32 v1, v3;
	_ =	sdelay $0x2  }
0x131: {  	s9 =	sadd.s32 $0x80, s9  }
0x132: {  	s17 =	sadd.s32 $0xFFFFFFFB, s10;
	[tilespmem:s9+$0xFFFFFFC0] =	vst v2  }
0x133: {  	v2 =	vld.idx.msk [tilespmem:v3+s20+$0x0], $0xffff;
	v3 =	vadd.s32 s17, v0  }
0x134: {  	v3 =	vshll.u32 v3, $0x7  }
0x135: {  	v3 =	vadd.s32 v1, v3;
	_ =	sdelay $0x3  }
0x136: {  	s17 =	sadd.s32 $0xFFFFFFFC, s10;
	[tilespmem:s9+$0xFFFFFFD0] =	vst v2  }
0x137: {  	v2 =	vld.idx.msk [tilespmem:v3+s20+$0x0], $0xffff;
	v3 =	vadd.s32 s17, v0  }
0x138: {  	v3 =	vshll.u32 v3, $0x7  }
0x139: {  	v3 =	vadd.s32 v1, v3;
	_ =	sdelay $0x3  }
0x13a: {  	s17 =	sadd.s32 $0xFFFFFFFD, s10;
	[tilespmem:s9+$0xFFFFFFE0] =	vst v2  }
0x13b: {  	v2 =	vld.idx.msk [tilespmem:v3+s20+$0x0], $0xffff;
	v3 =	vadd.s32 s17, v0  }
0x13c: {  	v3 =	vshll.u32 v3, $0x7  }
0x13d: {  	v3 =	vadd.s32 v1, v3;
	_ =	sdelay $0x3  }
0x13e: {  	s17 =	sadd.s32 $0xFFFFFFFE, s10;
	[tilespmem:s9+$0xFFFFFFF0] =	vst v2  }
0x13f: {  	v2 =	vld.idx.msk [tilespmem:v3+s20+$0x0], $0xffff;
	v3 =	vadd.s32 s17, v0  }
0x140: {  	v3 =	vshll.u32 v3, $0x7  }
0x141: {  	v3 =	vadd.s32 v1, v3;
	_ =	sdelay $0x3  }
0x142: {  	s17 =	sadd.s32 $0xFFFFFFFF, s10;
	[tilespmem:s9+$0x0] =	vst v2  }
0x143: {  	v2 =	vld.idx.msk [tilespmem:v3+s20+$0x0], $0xffff;
	v3 =	vadd.s32 s17, v0  }
0x144: {  	v3 =	vshll.u32 v3, $0x7  }
0x145: {  	v3 =	vadd.s32 v1, v3;
	_ =	sdelay $0x3  }
0x146: {  	[tilespmem:s9+$0x10] =	vst v2  }
0x147: {  	v2 =	vadd.s32 s10, v0;
	s10 =	smov.u32 s16;
	v3 =	vld.idx.msk [tilespmem:v3+s20+$0x0], $0xffff  }
0x148: {  	v2 =	vshll.u32 v2, $0x7  }
.Ltmp5:
0x149: {  	v2 =	vadd.s32 v1, v2;
	(pc) =	sbr.rel @p1 .LBB2_11-.Ltmp5, $2  }
0x14a: {  	_ =	sdelay $0x2  }
0x14b: {  	s16 =	sadd.s32 $0x20, s16;
	s17 =	sadd.s32 $0xFFFFFFF9, s10;
	[tilespmem:s9+$0x20] =	vst v3  }
0x14c: {  	_ =	sdelay $0x2  }
0x14d: {  	v3 =	vadd.s32 s17, v0  }
0x14e: {  	v2 =	vld.idx.msk [tilespmem:v2+s20+$0x0], $0xffff;
	v3 =	vshll.u32 v3, $0x7  }
0x14f: {  	v3 =	vadd.s32 v1, v3;
	_ =	sdelay $0x2  }
0x150: {  	s16 =	sadd.s32 $0xFFFFFFFA, s10  }
0x151: {  	[tilespmem:s9+$0x30] =	vst v2;
	v2 =	vadd.s32 s16, v0  }
0x152: {  	v2 =	vshll.u32 v2, $0x7;
	v3 =	vld.idx.msk [tilespmem:v3+s20+$0x0], $0xffff  }
0x153: {  	v2 =	vadd.s32 v1, v2;
	_ =	sdelay $0x2  }
0x154: {  	s17 =	sadd.s32 $0xFFFFFFFB, s10;
	s9 =	sadd.s32 $0x80, s9  }
0x155: {  	[tilespmem:s9+$0xFFFFFFC0] =	vst v3;
	v3 =	vadd.s32 s17, v0  }
0x156: {  	v2 =	vld.idx.msk [tilespmem:v2+s20+$0x0], $0xffff;
	v3 =	vshll.u32 v3, $0x7  }
0x157: {  	v3 =	vadd.s32 v1, v3;
	_ =	sdelay $0x2  }
0x158: {  	s17 =	sadd.s32 $0xFFFFFFFC, s10  }
0x159: {  	[tilespmem:s9+$0xFFFFFFD0] =	vst v2;
	v2 =	vadd.s32 s17, v0  }
0x15a: {  	v3 =	vld.idx.msk [tilespmem:v3+s20+$0x0], $0xffff;
	v2 =	vshll.u32 v2, $0x7  }
0x15b: {  	v2 =	vadd.s32 v1, v2;
	_ =	sdelay $0x2  }
0x15c: {  	s17 =	sadd.s32 $0xFFFFFFFD, s10  }
0x15d: {  	[tilespmem:s9+$0xFFFFFFE0] =	vst v3;
	v3 =	vadd.s32 s17, v0  }
0x15e: {  	v2 =	vld.idx.msk [tilespmem:v2+s20+$0x0], $0xffff;
	v3 =	vshll.u32 v3, $0x7  }
0x15f: {  	v3 =	vadd.s32 v1, v3;
	_ =	sdelay $0x2  }
0x160: {  	s17 =	sadd.s32 $0xFFFFFFFE, s10  }
0x161: {  	[tilespmem:s9+$0xFFFFFFF0] =	vst v2;
	v2 =	vadd.s32 s17, v0  }
0x162: {  	v3 =	vld.idx.msk [tilespmem:v3+s20+$0x0], $0xffff;
	v2 =	vshll.u32 v2, $0x7  }
0x163: {  	v2 =	vadd.s32 v1, v2;
	_ =	sdelay $0x2  }
0x164: {  	s17 =	sadd.s32 $0xFFFFFFFF, s10  }
0x165: {  	[tilespmem:s9+$0x0] =	vst v3;
	v3 =	vadd.s32 s17, v0  }
0x166: {  	v2 =	vld.idx.msk [tilespmem:v2+s20+$0x0], $0xffff;
	v3 =	vshll.u32 v3, $0x7  }
0x167: {  	v3 =	vadd.s32 v1, v3;
	_ =	sdelay $0x3  }
0x168: {  	[tilespmem:s9+$0x10] =	vst v2;
	v2 =	vadd.s32 s10, v0  }
0x169: {  	v3 =	vld.idx.msk [tilespmem:v3+s20+$0x0], $0xffff;
	v2 =	vshll.u32 v2, $0x7  }
0x16a: {  	v2 =	vadd.s32 v1, v2;
	_ =	sdelay $0x3  }
0x16b: {  	[tilespmem:s9+$0x20] =	vst v3  }
0x16c: {  	v2 =	vld.idx.msk [tilespmem:v2+s20+$0x0], $0xffff;
	_ =	sdelay $0x2  }
0x16d: {  	s5 =	sadd.s32 s5, s14  }
0x16e: {  	s5 =	sshrl.u32 s5, $0x3  }
0x16f: {  	s5 =	sadd.s32 s3, s5;
	[tilespmem:s9+$0x30] =	vst v2  }
0x170: {  	[hbm4b:s5+s4] =	stream.linear.scatter [tilespmem:s23], [sflag:$0x5], $0x380, $0x38;
	[tilespmem:$0x1C780] =	vst v63  }
0x171: {  	s5 =	sadd.s32 @!p0 s8, s15  }
0x172: {  	s17 =	simm.s32 $0x0;
	s5 =	sshll.u32 @!p0 s5, $0x4  }
0x173: {  	s9 =	simm.s32 @!p0 $0xE080;
	s8 =	simm.s32 @!p0 $0x0;
	s5 =	sadd.s32 @!p0 s1, s5  }
0x174: {  	v2 =	vadd.s32 s17, v0;
	[tilespmem:s9], [sflag:$0x3] =	stream.linear.gather @!p0 [hbm4b:s5+s8], $0x7000, $0x38;
	[tilespmem:$0x1C780] =	vst v63  }
0x175: {  	v2 =	vshll.u32 v2, $0x7;
	_ =	swait.ge [sflag:s30], $0x7000  }
0x176: {  	v2 =	vadd.s32 v1, v2;
	[sflag:s30] =	ssyncset.done $0x0  }
0x177: {  	[sflag:s30] =	ssyncadd.s32 $0xFFFF9000  }
0x178: {  	_ =	swait.ge [sflag:s25], $0x380  }
0x179: {  	s10 =	simm.s32 $0x1;
	[sflag:s25] =	ssyncset.done $0x0  }
0x17a: {  	v3 =	vadd.s32 s10, v0;
	[sflag:s25] =	ssyncadd.s32 $0xFFFFFC80  }
0x17b: {  	v3 =	vshll.u32 v3, $0x7;
	v2 =	vld.idx.msk [tilespmem:v2+s21+$0x0], $0xffff  }
0x17c: {  	v3 =	vadd.s32 v1, v3;
	_ =	sdelay $0x2  }
0x17d: {  	s16 =	simm.s32 $0x2;
	s5 =	simm.s32 $0x1C440  }
0x17e: {  	[tilespmem:s5+$0xFFFFFFC0] =	vst v2;
	v2 =	vadd.s32 s16, v0  }
0x17f: {  	v3 =	vld.idx.msk [tilespmem:v3+s21+$0x0], $0xffff;
	v2 =	vshll.u32 v2, $0x7  }
0x180: {  	v2 =	vadd.s32 v1, v2;
	_ =	sdelay $0x2  }
0x181: {  	s17 =	simm.s32 $0x3  }
0x182: {  	[tilespmem:s5+$0xFFFFFFD0] =	vst v3;
	v3 =	vadd.s32 s17, v0  }
0x183: {  	v2 =	vld.idx.msk [tilespmem:v2+s21+$0x0], $0xffff;
	v3 =	vshll.u32 v3, $0x7  }
0x184: {  	v3 =	vadd.s32 v1, v3;
	_ =	sdelay $0x2  }
0x185: {  	s9 =	simm.s32 $0x4  }
0x186: {  	[tilespmem:s5+$0xFFFFFFE0] =	vst v2;
	v2 =	vadd.s32 s9, v0  }
0x187: {  	v3 =	vld.idx.msk [tilespmem:v3+s21+$0x0], $0xffff;
	v2 =	vshll.u32 v2, $0x7  }
0x188: {  	v2 =	vadd.s32 v1, v2;
	_ =	sdelay $0x2  }
0x189: {  	s10 =	simm.s32 $0x5  }
0x18a: {  	[tilespmem:s5+$0xFFFFFFF0] =	vst v3;
	v3 =	vadd.s32 s10, v0  }
0x18b: {  	v2 =	vld.idx.msk [tilespmem:v2+s21+$0x0], $0xffff;
	v3 =	vshll.u32 v3, $0x7  }
0x18c: {  	v3 =	vadd.s32 v1, v3;
	_ =	sdelay $0x2  }
0x18d: {  	s16 =	simm.s32 $0x6  }
0x18e: {  	[tilespmem:s5+$0x0] =	vst v2;
	v2 =	vadd.s32 s16, v0  }
0x18f: {  	v3 =	vld.idx.msk [tilespmem:v3+s21+$0x0], $0xffff;
	v2 =	vshll.u32 v2, $0x7  }
0x190: {  	v2 =	vadd.s32 v1, v2;
	_ =	sdelay $0x3  }
0x191: {  	s17 =	simm.s32 $0x7;
	[tilespmem:s5+$0x10] =	vst v3  }
0x192: {  	v3 =	vld.idx.msk [tilespmem:v2+s21+$0x0], $0xffff;
	v2 =	vadd.s32 s17, v0  }
0x193: {  	v2 =	vshll.u32 v2, $0x7  }
0x194: {  	v2 =	vadd.s32 v1, v2;
	_ =	sdelay $0x3  }
0x195: {  	s8 =	simm.s32 $0x27;
	s9 =	simm.s32 $0x47;
	s10 =	simm.s32 $0x20;
	[tilespmem:s5+$0x20] =	vst v3  }
.LBB2_13:
0x196: {  	p0 =	sne.s32 s9, $0xC7;
	v3 =	vadd.s32 s10, v0;
	v2 =	vld.idx.msk [tilespmem:v2+s21+$0x0], $0xffff  }
0x197: {  	v3 =	vshll.u32 v3, $0x7  }
0x198: {  	v3 =	vadd.s32 v1, v3;
	_ =	sdelay $0x3  }
0x199: {  	s10 =	sadd.s32 $0xFFFFFFFA, s8;
	[tilespmem:s5+$0x30] =	vst v2  }
0x19a: {  	v2 =	vld.idx.msk [tilespmem:v3+s21+$0x0], $0xffff;
	v3 =	vadd.s32 s10, v0  }
0x19b: {  	v3 =	vshll.u32 v3, $0x7  }
0x19c: {  	v3 =	vadd.s32 v1, v3;
	_ =	sdelay $0x2  }
0x19d: {  	s5 =	sadd.s32 $0x80, s5  }
0x19e: {  	s10 =	sadd.s32 $0xFFFFFFFB, s8;
	[tilespmem:s5+$0xFFFFFFC0] =	vst v2  }
0x19f: {  	v2 =	vld.idx.msk [tilespmem:v3+s21+$0x0], $0xffff;
	v3 =	vadd.s32 s10, v0  }
0x1a0: {  	v3 =	vshll.u32 v3, $0x7  }
0x1a1: {  	v3 =	vadd.s32 v1, v3;
	_ =	sdelay $0x3  }
0x1a2: {  	s10 =	sadd.s32 $0xFFFFFFFC, s8;
	[tilespmem:s5+$0xFFFFFFD0] =	vst v2  }
0x1a3: {  	v2 =	vld.idx.msk [tilespmem:v3+s21+$0x0], $0xffff;
	v3 =	vadd.s32 s10, v0  }
0x1a4: {  	v3 =	vshll.u32 v3, $0x7  }
0x1a5: {  	v3 =	vadd.s32 v1, v3;
	_ =	sdelay $0x3  }
0x1a6: {  	s10 =	sadd.s32 $0xFFFFFFFD, s8;
	[tilespmem:s5+$0xFFFFFFE0] =	vst v2  }
0x1a7: {  	v2 =	vld.idx.msk [tilespmem:v3+s21+$0x0], $0xffff;
	v3 =	vadd.s32 s10, v0  }
0x1a8: {  	v3 =	vshll.u32 v3, $0x7  }
0x1a9: {  	v3 =	vadd.s32 v1, v3;
	_ =	sdelay $0x3  }
0x1aa: {  	s10 =	sadd.s32 $0xFFFFFFFE, s8;
	[tilespmem:s5+$0xFFFFFFF0] =	vst v2  }
0x1ab: {  	v2 =	vld.idx.msk [tilespmem:v3+s21+$0x0], $0xffff;
	v3 =	vadd.s32 s10, v0  }
0x1ac: {  	v3 =	vshll.u32 v3, $0x7  }
0x1ad: {  	v3 =	vadd.s32 v1, v3;
	_ =	sdelay $0x3  }
0x1ae: {  	s10 =	sadd.s32 $0xFFFFFFFF, s8;
	[tilespmem:s5+$0x0] =	vst v2  }
0x1af: {  	v2 =	vld.idx.msk [tilespmem:v3+s21+$0x0], $0xffff;
	v3 =	vadd.s32 s10, v0  }
0x1b0: {  	v3 =	vshll.u32 v3, $0x7  }
0x1b1: {  	v3 =	vadd.s32 v1, v3;
	_ =	sdelay $0x3  }
0x1b2: {  	[tilespmem:s5+$0x10] =	vst v2  }
0x1b3: {  	v2 =	vadd.s32 s8, v0;
	s8 =	smov.u32 s9;
	v3 =	vld.idx.msk [tilespmem:v3+s21+$0x0], $0xffff  }
0x1b4: {  	v2 =	vshll.u32 v2, $0x7  }
.Ltmp6:
0x1b5: {  	v2 =	vadd.s32 v1, v2;
	(pc) =	sbr.rel @p0 .LBB2_13-.Ltmp6, $2  }
0x1b6: {  	_ =	sdelay $0x2  }
0x1b7: {  	s9 =	sadd.s32 $0x20, s9;
	s10 =	sadd.s32 $0xFFFFFFF9, s8;
	[tilespmem:s5+$0x20] =	vst v3  }
0x1b8: {  	_ =	sdelay $0x2  }
0x1b9: {  	v3 =	vadd.s32 s10, v0  }
0x1ba: {  	v2 =	vld.idx.msk [tilespmem:v2+s21+$0x0], $0xffff;
	v3 =	vshll.u32 v3, $0x7  }
0x1bb: {  	v3 =	vadd.s32 v1, v3;
	_ =	sdelay $0x2  }
0x1bc: {  	s9 =	sadd.s32 $0xFFFFFFFA, s8  }
0x1bd: {  	[tilespmem:s5+$0x30] =	vst v2;
	v2 =	vadd.s32 s9, v0  }
0x1be: {  	v2 =	vshll.u32 v2, $0x7;
	v3 =	vld.idx.msk [tilespmem:v3+s21+$0x0], $0xffff  }
0x1bf: {  	v2 =	vadd.s32 v1, v2;
	_ =	sdelay $0x2  }
0x1c0: {  	s16 =	sadd.s32 $0xFFFFFFFB, s8;
	s5 =	sadd.s32 $0x80, s5  }
0x1c1: {  	[tilespmem:s5+$0xFFFFFFC0] =	vst v3;
	v3 =	vadd.s32 s16, v0  }
0x1c2: {  	v2 =	vld.idx.msk [tilespmem:v2+s21+$0x0], $0xffff;
	v3 =	vshll.u32 v3, $0x7  }
0x1c3: {  	v3 =	vadd.s32 v1, v3;
	_ =	sdelay $0x2  }
0x1c4: {  	s17 =	sadd.s32 $0xFFFFFFFC, s8  }
0x1c5: {  	[tilespmem:s5+$0xFFFFFFD0] =	vst v2;
	v2 =	vadd.s32 s17, v0  }
0x1c6: {  	v3 =	vld.idx.msk [tilespmem:v3+s21+$0x0], $0xffff;
	v2 =	vshll.u32 v2, $0x7  }
0x1c7: {  	v2 =	vadd.s32 v1, v2;
	_ =	sdelay $0x2  }
0x1c8: {  	s10 =	sadd.s32 $0xFFFFFFFD, s8  }
0x1c9: {  	[tilespmem:s5+$0xFFFFFFE0] =	vst v3;
	v3 =	vadd.s32 s10, v0  }
0x1ca: {  	v2 =	vld.idx.msk [tilespmem:v2+s21+$0x0], $0xffff;
	v3 =	vshll.u32 v3, $0x7  }
0x1cb: {  	v3 =	vadd.s32 v1, v3;
	_ =	sdelay $0x2  }
0x1cc: {  	s16 =	sadd.s32 $0xFFFFFFFE, s8  }
0x1cd: {  	[tilespmem:s5+$0xFFFFFFF0] =	vst v2;
	v2 =	vadd.s32 s16, v0  }
0x1ce: {  	v3 =	vld.idx.msk [tilespmem:v3+s21+$0x0], $0xffff;
	v2 =	vshll.u32 v2, $0x7  }
0x1cf: {  	v2 =	vadd.s32 v1, v2;
	_ =	sdelay $0x2  }
0x1d0: {  	s17 =	sadd.s32 $0xFFFFFFFF, s8  }
0x1d1: {  	[tilespmem:s5+$0x0] =	vst v3;
	v3 =	vadd.s32 s17, v0  }
0x1d2: {  	v2 =	vld.idx.msk [tilespmem:v2+s21+$0x0], $0xffff;
	v3 =	vshll.u32 v3, $0x7  }
0x1d3: {  	v3 =	vadd.s32 v1, v3;
	_ =	sdelay $0x3  }
0x1d4: {  	[tilespmem:s5+$0x10] =	vst v2;
	v2 =	vadd.s32 s8, v0  }
0x1d5: {  	v3 =	vld.idx.msk [tilespmem:v3+s21+$0x0], $0xffff;
	v2 =	vshll.u32 v2, $0x7  }
0x1d6: {  	v2 =	vadd.s32 v1, v2;
	_ =	sdelay $0x3  }
0x1d7: {  	[tilespmem:s5+$0x20] =	vst v3  }
0x1d8: {  	s2 =	sadd.s32 $0x1, s2;
	v2 =	vld.idx.msk [tilespmem:v2+s21+$0x0], $0xffff  }
0x1d9: {  	s0 =	smul.u32 $0x380, s0;
	p0 =	sne.s32 s2, $0x15  }
.Ltmp7:
0x1da: {  	_ = 	snop;
	(pc) =	sbr.rel @p0 .LBB2_2-.Ltmp7, $4  }
0x1db: {  	s0 =	sadd.s32 s7, s0  }
0x1dc: {  	s0 =	sshrl.u32 s0, $0x3  }
0x1dd: {  	s0 =	sadd.s32 s3, s0;
	[tilespmem:s5+$0x30] =	vst v2  }
0x1de: {  	[hbm4b:s0+s4] =	stream.linear.scatter [tilespmem:s26], [sflag:$0x6], $0x380, $0x38;
	[tilespmem:$0x1C780] =	vst v63  }
0x1df: {  	_ =	swait.ge [sflag:s29], $0x380  }
0x1e0: {  	[sflag:s29] =	ssyncset.done $0x0  }
0x1e1: {  	[sflag:s29] =	ssyncadd.s32 $0xFFFFFC80  }
0x1e2: {  	_ =	swait.ge [sflag:s25], $0x380  }
0x1e3: {  	s31 =	sadd.s32 $0x1, s31;
	s0 =	rddreg [dreg:$0x8]  }
0x1e4: {  	p0 =	sne.s32 s31, s0  }
.Ltmp8:
0x1e5: {  	_ = 	snop;
	(pc) =	sbr.rel @p0 .LBB2_1-.Ltmp8, $3  }
0x1e6: {  	_ =	sdelay $0x1  }
0x1e7: {  	[sflag:s25] =	ssyncset.done $0x0  }
0x1e8: {  	[sflag:s25] =	ssyncadd.s32 $0xFFFFFC80  }
0x1e9: {  	_ =	sfence.sel $0x180000  }
0x1ea: {  	[bflag:$0x0] =	sbarrier.arrive $0xFFFF  }
0x1eb: {  	_ =	strace $0x90000047  }
0x1ec: {  	s0 =	stileid.u32;
	[bflag:$0x2] =	sbarrier.arrive $0xFFFF  }
0x1ed: {  	p0 =	sne.s32 s0, $0x0;
	s0 =	rddreg [dreg:$0x3]  }
0x1ee: {  	s0 =	sadd.s32 @!p0 $0x100000, s0  }
0x1ef: {  	[sflag:s0] =	ssyncadd.tile.s32 @!p0 $0x1;
	_ =	shalt  }
.Lfunc_end2:
_tile_overlayer_lowered:
.L_overlay_start_2:
0x1f0: {  	(tag) =	ssettag $0x2  }
0x1f1: {  	s0 =	rddreg [dreg:$0x0];
	s2 =	stileid.u32  }
0x1f2: {  	s1 =	rddreg [dreg:$0x1];
	p0 =	sne.s32 s2, $0x0  }
0x1f3: {  	s3 =	rddreg [dreg:$0x2];
	[bflag:$0x3] =	sbarrier.arrive $0xFFFF;
	s2 =	simm.s32 @!p0 $0x1C07  }
0x1f4: {  	[timem:s3], [sflag:s2] =	dma.local @!p0 [hbm:s0], s1  }
0x1f5: {  	s0 =	simm.s32 @!p0 $0x7  }
0x1f6: {  	_ =	swait.ge @!p0 [sflag:s0], s1  }
0x1f7: {  	s1 =	ssub.s32 @!p0 $0x0, s1;
	[sflag:s0] =	ssyncset.done @!p0 $0x0  }
0x1f8: {  	[sflag:s0] =	ssyncadd.s32 @!p0 s1  }
0x1f9: {  	[bflag:$0x3] =	sbarrier.arrive $0xFFFF  }
0x1fa: {  	_ =	shalt  }

</sc_bundles>
